<compile_context>
chip_gen: v7x
topology: tpu7x:2x2x1
jax: 0.10.2.dev20260603
libtpu: 0.0.44.dev20260713+nightly
codegen_flags: <defaults>
</compile_context>

<pallas_src>
import functools

import jax
import jax.numpy as jnp
from jax import lax
from jax.experimental import pallas as pl
from jax.experimental.pallas import tpu as pltpu
from jax.experimental.pallas import tpu_sc as plsc

N = 10000
M = 32
D = 128
C = 256
BD = 16
EPS = 1e-5

NC = 2
NS = 16
NW = NC * NS
CHROWS = 400
GSZ = 80
GPC = CHROWS // GSZ
NCHUNK = (N * M) // (NW * CHROWS)

NB = 200
NBLK = N // NB
R = NB * M


DW = D // 2


def _sc_gather(table, idx1d):
    mesh = plsc.VectorSubcoreMesh(core_axis_name="c", subcore_axis_name="s")

    @functools.partial(
        pl.kernel,
        mesh=mesh,
        out_type=jax.ShapeDtypeStruct((N * M, DW), jnp.int32),
        scratch_types=[
            pltpu.VMEM((CHROWS,), jnp.int32),
            pltpu.VMEM((CHROWS, DW), jnp.int32),
            pltpu.SemaphoreType.DMA,
        ],
        compiler_params=pltpu.CompilerParams(use_tc_tiling_on_sc=False),
    )
    def gk(table_hbm, idx_hbm, out_hbm, idx_v, rows_v, sem):
        wid = lax.axis_index("s") * NC + lax.axis_index("c")

        def body(j, carry):
            r0 = (wid * NCHUNK + j) * CHROWS
            pltpu.sync_copy(idx_hbm.at[pl.ds(r0, CHROWS)], idx_v)
            cps = [
                pltpu.async_copy(table_hbm.at[idx_v.at[pl.ds(g * GSZ, GSZ)]],
                                 rows_v.at[pl.ds(g * GSZ, GSZ)], sem)
                for g in range(GPC)
            ]
            for cp in cps:
                cp.wait()
            pltpu.sync_copy(rows_v, out_hbm.at[pl.ds(r0, CHROWS)])
            return carry

        lax.fori_loop(0, NCHUNK, body, 0)

    return gk(table, idx1d)


def _compute_x(g_ref, bond_ref, atom_ref, wnt_ref, wbt_ref, wct_ref, b_ref):
    g = g_ref[...]
    g_lo = lax.bitcast_convert_type(g << 16, jnp.float32).astype(jnp.bfloat16)
    g_hi = lax.bitcast_convert_type(g & jnp.int32(-65536),
                                    jnp.float32).astype(jnp.bfloat16)
    gcat = jnp.concatenate([g_lo, g_hi], axis=1)
    xg = jnp.dot(gcat, wnt_ref[...], preferred_element_type=jnp.float32)
    xb = jnp.dot(bond_ref[...].reshape(R, BD).astype(jnp.bfloat16),
                 wbt_ref[...], preferred_element_type=jnp.float32)
    pc = jnp.dot(atom_ref[...].astype(jnp.bfloat16), wct_ref[...],
                 preferred_element_type=jnp.float32)
    pc = pc + b_ref[0:1, :]
    return (xg + xb).reshape(NB, M, C) + pc[:, None, :]


def _stats_body(g_ref, bond_ref, atom_ref, wnt_ref, wbt_ref, wct_ref, b_ref,
                s1_ref, s2_ref):
    i = pl.program_id(0)
    x = _compute_x(g_ref, bond_ref, atom_ref, wnt_ref, wbt_ref, wct_ref, b_ref)
    s1 = jnp.sum(x, axis=(0, 1), keepdims=True).reshape(1, C)
    s2 = jnp.sum(x * x, axis=(0, 1), keepdims=True).reshape(1, C)

    @pl.when(i == 0)
    def _():
        s1_ref[...] = jnp.zeros_like(s1_ref)
        s2_ref[...] = jnp.zeros_like(s2_ref)

    s1_ref[...] += jnp.broadcast_to(s1, (8, C))
    s2_ref[...] += jnp.broadcast_to(s2, (8, C))


def _softplus(x):
    return jnp.maximum(x, 0.0) + jnp.log1p(jnp.exp(-jnp.abs(x)))


def _apply_body(g_ref, bond_ref, atom_ref, wnt_ref, wbt_ref, wct_ref, b_ref,
                sel_ref, s_ref, t1_ref, t2_ref):
    i = pl.program_id(0)
    xn = _compute_x(g_ref, bond_ref, atom_ref, wnt_ref, wbt_ref, wct_ref,
                    b_ref).reshape(R, C)
    filt = 1.0 / (1.0 + jnp.exp(-xn[:, :D]))
    core = _softplus(xn[:, D:])
    prod = (filt * core).astype(jnp.bfloat16)
    s = jnp.dot(sel_ref[...], prod, preferred_element_type=jnp.float32)
    s_ref[...] = s
    t1 = jnp.sum(s, axis=0, keepdims=True)
    t2 = jnp.sum(s * s, axis=0, keepdims=True)

    @pl.when(i == 0)
    def _():
        t1_ref[...] = jnp.zeros_like(t1_ref)
        t2_ref[...] = jnp.zeros_like(t2_ref)

    t1_ref[...] += jnp.broadcast_to(t1, (8, D))
    t2_ref[...] += jnp.broadcast_to(t2, (8, D))


def _final_body(atom_ref, s_ref, sc2_ref, sh2_ref, out_ref):
    sn = s_ref[...] * sc2_ref[0:1, :] + sh2_ref[0:1, :]
    out_ref[...] = _softplus(atom_ref[...] + sn)


def kernel(atom, bond, bond_idx, W, b):
    wct = W[:, :D].T.astype(jnp.bfloat16)
    wnt_n = W[:, D:2 * D].T.astype(jnp.bfloat16)
    wnt = jnp.concatenate([wnt_n[0::2], wnt_n[1::2]], axis=0)
    wbt = W[:, 2 * D:].T.astype(jnp.bfloat16)
    b8 = jnp.broadcast_to(b.reshape(1, C), (8, C))

    idx1d = bond_idx.reshape(N * M)
    atom_packed = lax.bitcast_convert_type(
        atom.astype(jnp.bfloat16).reshape(N, DW, 2), jnp.int32)
    g2 = _sc_gather(atom_packed, idx1d)

    full = lambda shape: pl.BlockSpec(shape, lambda i: (0, 0))
    row_specs = [
        pl.BlockSpec((R, DW), lambda i: (i, 0)),
        pl.BlockSpec((NB, M, BD), lambda i: (i, 0, 0)),
        pl.BlockSpec((NB, D), lambda i: (i, 0)),
        full((D, C)), full((BD, C)), full((D, C)), full((8, C)),
    ]

    s1, s2 = pl.pallas_call(
        _stats_body,
        grid=(NBLK,),
        in_specs=row_specs,
        out_specs=[full((8, C)), full((8, C))],
        out_shape=[jax.ShapeDtypeStruct((8, C), jnp.float32)] * 2,
    )(g2, bond, atom, wnt, wbt, wct, b8)

    cnt = float(N * M)
    mean = s1[0] / cnt
    var = s2[0] / cnt - mean * mean
    scale = lax.rsqrt(var + EPS)
    shift = -mean * scale
    wnt_s = (wnt.astype(jnp.float32) * scale).astype(jnp.bfloat16)
    wbt_s = (wbt.astype(jnp.float32) * scale).astype(jnp.bfloat16)
    wct_s = (wct.astype(jnp.float32) * scale).astype(jnp.bfloat16)
    bsh8 = jnp.broadcast_to((b * scale + shift).reshape(1, C), (8, C))
    sel = (lax.broadcasted_iota(jnp.int32, (NB, R), 1) // M
           == lax.broadcasted_iota(jnp.int32, (NB, R), 0)).astype(jnp.bfloat16)

    apply_specs = [
        pl.BlockSpec((R, DW), lambda i: (i, 0)),
        pl.BlockSpec((NB, M, BD), lambda i: (i, 0, 0)),
        pl.BlockSpec((NB, D), lambda i: (i, 0)),
        full((D, C)), full((BD, C)), full((D, C)), full((8, C)),
        full((NB, R)),
    ]
    s, t1, t2 = pl.pallas_call(
        _apply_body,
        grid=(NBLK,),
        in_specs=apply_specs,
        out_specs=[pl.BlockSpec((NB, D), lambda i: (i, 0)),
                   full((8, D)), full((8, D))],
        out_shape=[jax.ShapeDtypeStruct((N, D), jnp.float32),
                   jax.ShapeDtypeStruct((8, D), jnp.float32),
                   jax.ShapeDtypeStruct((8, D), jnp.float32)],
    )(g2, bond, atom, wnt_s, wbt_s, wct_s, bsh8, sel)

    mean2 = t1[0] / float(N)
    var2 = t2[0] / float(N) - mean2 * mean2
    scale2 = lax.rsqrt(var2 + EPS)
    shift2 = -mean2 * scale2
    sc28 = jnp.broadcast_to(scale2.reshape(1, D), (8, D))
    sh28 = jnp.broadcast_to(shift2.reshape(1, D), (8, D))

    out = pl.pallas_call(
        _final_body,
        grid=(NBLK,),
        in_specs=[pl.BlockSpec((NB, D), lambda i: (i, 0)),
                  pl.BlockSpec((NB, D), lambda i: (i, 0)),
                  full((8, D)), full((8, D))],
        out_specs=pl.BlockSpec((NB, D), lambda i: (i, 0)),
        out_shape=jax.ShapeDtypeStruct((N, D), jnp.float32),
    )(atom, s, sc28, sh28)
    return out

# --- scband reference (transcript-rebuilt; emitter-appended) ---
"""Pipeline reference for scband-graph-conv-21818433864287 (READ-ONLY COPY).

The authoritative reference and input builder live on the scoring server;
editing this copy changes nothing except your own understanding.
"""

import jax, jax.numpy as jnp
import numpy as np

ATOM_DIM = 128
BOND_DIM = 16
N = 10000
M = 32


def setup_inputs(seed: int = 0) -> dict:
    key = jax.random.key(seed)
    k1, k2, k3, k4, k5 = jax.random.split(key, 5)
    atom = jax.random.normal(k1, (N, ATOM_DIM), dtype=jnp.float32)
    bond = jax.random.normal(k2, (N, M, BOND_DIM), dtype=jnp.float32)
    bond_idx = jax.random.randint(k3, (N, M), 0, N, dtype=jnp.int32)
    fan_in = 2 * ATOM_DIM + BOND_DIM
    bound = 1.0 / np.sqrt(fan_in)
    W = jax.random.uniform(k4, (2 * ATOM_DIM, fan_in), minval=-bound, maxval=bound, dtype=jnp.float32)
    b = jax.random.uniform(k5, (2 * ATOM_DIM,), minval=-bound, maxval=bound, dtype=jnp.float32)
    return {"atom": atom, "bond": bond, "bond_idx": bond_idx, "W": W, "b": b}


def _batchnorm(x, axes, eps=1e-5):
    # PyTorch BatchNorm (training mode, affine=False): biased variance over batch dims
    mean = jnp.mean(x, axis=axes, keepdims=True)
    var = jnp.var(x, axis=axes, keepdims=True)
    return (x - mean) / jnp.sqrt(var + eps)


def reference(atom, bond, bond_idx, W, b):
    n, m = bond_idx.shape
    # gather neighbor atom features: atom[bond_idx, :] -> [N, M, atom_dim]
    atom_bond = jnp.take(atom, bond_idx, axis=0)
    # concat [center_atom, neighbor_atom, bond] -> [N, M, 2*atom_dim + bond_dim]
    center = jnp.broadcast_to(atom[:, None, :], (n, m, ATOM_DIM))
    total_bond = jnp.concatenate([center, atom_bond, bond], axis=2)
    # FC_full
    total_gated = total_bond @ W.T + b  # [N, M, 2*atom_dim]
    # BatchNorm1d over (N, C, M) layout == normalize over dims (0, 1) per channel
    total_gated = _batchnorm(total_gated, (0, 1))
    gated_filter, gated_core = jnp.split(total_gated, 2, axis=2)
    gated_filter = jax.nn.sigmoid(gated_filter)
    gated_core = jax.nn.softplus(gated_core)
    sumed_bond = jnp.sum(gated_filter * gated_core, axis=1)  # [N, atom_dim]
    sumed_bond = _batchnorm(sumed_bond, (0,))
    out = jax.nn.softplus(atom + sumed_bond)
    return out

if __name__ == "__main__":
    import jax
    _d = setup_inputs()
    print(jax.jit(kernel)(*tuple(_d.values())))

</pallas_src>

<mosaic_0001>
#map = affine_map<(d0, d1) -> (0, 0)>
#map1 = affine_map<(d0, d1) -> (0)>
module attributes {stable_mosaic.version = 14 : i64} {
  func.func @gk(%arg0: i32, %arg1: i32, %arg2: memref<10000x64xi32, #tpu.memory_space<hbm>>, %arg3: memref<320000xi32, #tpu.memory_space<hbm>>, %arg4: memref<320000x64xi32, #tpu.memory_space<hbm>>, %arg5: memref<400xi32, #tpu.memory_space<vmem>>, %arg6: memref<400x64xi32, #tpu.memory_space<vmem>>, %arg7: memref<!tpu.dma_semaphore, #tpu.memory_space<semaphore_mem>>) attributes {dimension_semantics = [#tpu.dimension_semantics<core_parallel>, #tpu.dimension_semantics<subcore_parallel>], iteration_bounds = array<i64: 2, 16>, scalar_prefetch = 0 : i64, scratch_operands = 3 : i64, tpu.core_type = #tpu.core_type<sc_vector_subcore>, window_params = [{transform_indices = #map}, {transform_indices = #map1}, {transform_indices = #map}]} {
    %mul3A = arith.constant 2 : i32
    %mul3A_0 = arith.muli %arg1, %mul3A : i32
    %add3A = arith.addi %mul3A_0, %arg0 : i32
    %scan3A = arith.constant 0 : i32
    %scan3A_1 = arith.constant 0 : i32
    %scan3A_2 = arith.constant 25 : i32
    %scan3A_3 = arith.addi %scan3A_1, %scan3A_2 : i32
    %scan3A_4 = arith.constant 1 : i32
    scf.for %scan3A_6 = %scan3A_1 to %scan3A_3 step %scan3A_4  : i32 {
      %mul3A_7 = arith.constant 25 : i32
      %mul3A_8 = arith.muli %add3A, %mul3A_7 : i32
      %add3A_9 = arith.addi %mul3A_8, %scan3A_6 : i32
      %mul3A_10 = arith.constant 400 : i32
      %mul3A_11 = arith.muli %add3A_9, %mul3A_10 : i32
      "tpu.region"() ({
        %run_scoped3A = tpu.sem_alloc : memref<!tpu.dma_semaphore, #tpu.memory_space<semaphore_mem>>
        %dma_start3A_90 = tpu.memref_slice %arg3[%mul3A_11] : memref<320000xi32, #tpu.memory_space<hbm>> -> memref<400xi32, #tpu.memory_space<hbm>>
        %dma_start3A_91 = tpu.memref_slice %arg3[%mul3A_11] : memref<320000xi32, #tpu.memory_space<hbm>> -> memref<400xi32, #tpu.memory_space<hbm>>
        tpu.enqueue_dma source(%dma_start3A_91 : memref<400xi32, #tpu.memory_space<hbm>>) target(%arg5 : memref<400xi32, #tpu.memory_space<vmem>>) target_semaphore(%run_scoped3A : memref<!tpu.dma_semaphore, #tpu.memory_space<semaphore_mem>>)
        %dma_wait3A_92 = tpu.memref_slice %arg3[%mul3A_11] : memref<320000xi32, #tpu.memory_space<hbm>> -> memref<400xi32, #tpu.memory_space<hbm>>
        %dma_wait3A_93 = tpu.memref_slice %arg3[%mul3A_11] : memref<320000xi32, #tpu.memory_space<hbm>> -> memref<400xi32, #tpu.memory_space<hbm>>
        tpu.wait_dma2 semaphore(%run_scoped3A : memref<!tpu.dma_semaphore, #tpu.memory_space<semaphore_mem>>) src(%dma_wait3A_93 : memref<400xi32, #tpu.memory_space<hbm>>) dst(%arg5 : memref<400xi32, #tpu.memory_space<vmem>>)
        tpu.yield
      }) : () -> ()
      %dma_start3A = arith.constant 0 : i32
      %dma_start3A_12 = arith.constant 0 : i32
      %dma_start3A_13 = tpu.memref_slice %arg6[%dma_start3A, %dma_start3A_12] : memref<400x64xi32, #tpu.memory_space<vmem>> -> memref<80x64xi32, #tpu.memory_space<vmem>>
      %dma_start3A_14 = arith.constant 0 : i32
      %dma_start3A_15 = tpu.memref_slice %arg5[%dma_start3A_14] : memref<400xi32, #tpu.memory_space<vmem>> -> memref<80xi32, #tpu.memory_space<vmem>>
      %dma_start3A_16 = arith.constant 0 : i32
      %dma_start3A_17 = arith.constant 0 : i32
      %dma_start3A_18 = tpu.memref_slice %arg2[%dma_start3A_16, %dma_start3A_17] : memref<10000x64xi32, #tpu.memory_space<hbm>> -> memref<10000x64xi32, #tpu.memory_space<hbm>>
      tpu.enqueue_indirect_dma source(%dma_start3A_18 : memref<10000x64xi32, #tpu.memory_space<hbm>>) target(%dma_start3A_13 : memref<80x64xi32, #tpu.memory_space<vmem>>) offsets(%dma_start3A_15 : memref<80xi32, #tpu.memory_space<vmem>>) semaphore(%arg7 : memref<!tpu.dma_semaphore, #tpu.memory_space<semaphore_mem>>)
      %dma_start3A_19 = arith.constant 80 : i32
      %dma_start3A_20 = arith.constant 0 : i32
      %dma_start3A_21 = tpu.memref_slice %arg6[%dma_start3A_19, %dma_start3A_20] : memref<400x64xi32, #tpu.memory_space<vmem>> -> memref<80x64xi32, #tpu.memory_space<vmem>>
      %dma_start3A_22 = arith.constant 80 : i32
      %dma_start3A_23 = tpu.memref_slice %arg5[%dma_start3A_22] : memref<400xi32, #tpu.memory_space<vmem>> -> memref<80xi32, #tpu.memory_space<vmem>>
      %dma_start3A_24 = arith.constant 0 : i32
      %dma_start3A_25 = arith.constant 0 : i32
      %dma_start3A_26 = tpu.memref_slice %arg2[%dma_start3A_24, %dma_start3A_25] : memref<10000x64xi32, #tpu.memory_space<hbm>> -> memref<10000x64xi32, #tpu.memory_space<hbm>>
      tpu.enqueue_indirect_dma source(%dma_start3A_26 : memref<10000x64xi32, #tpu.memory_space<hbm>>) target(%dma_start3A_21 : memref<80x64xi32, #tpu.memory_space<vmem>>) offsets(%dma_start3A_23 : memref<80xi32, #tpu.memory_space<vmem>>) semaphore(%arg7 : memref<!tpu.dma_semaphore, #tpu.memory_space<semaphore_mem>>)
      %dma_start3A_27 = arith.constant 160 : i32
      %dma_start3A_28 = arith.constant 0 : i32
      %dma_start3A_29 = tpu.memref_slice %arg6[%dma_start3A_27, %dma_start3A_28] : memref<400x64xi32, #tpu.memory_space<vmem>> -> memref<80x64xi32, #tpu.memory_space<vmem>>
      %dma_start3A_30 = arith.constant 160 : i32
      %dma_start3A_31 = tpu.memref_slice %arg5[%dma_start3A_30] : memref<400xi32, #tpu.memory_space<vmem>> -> memref<80xi32, #tpu.memory_space<vmem>>
      %dma_start3A_32 = arith.constant 0 : i32
      %dma_start3A_33 = arith.constant 0 : i32
      %dma_start3A_34 = tpu.memref_slice %arg2[%dma_start3A_32, %dma_start3A_33] : memref<10000x64xi32, #tpu.memory_space<hbm>> -> memref<10000x64xi32, #tpu.memory_space<hbm>>
      tpu.enqueue_indirect_dma source(%dma_start3A_34 : memref<10000x64xi32, #tpu.memory_space<hbm>>) target(%dma_start3A_29 : memref<80x64xi32, #tpu.memory_space<vmem>>) offsets(%dma_start3A_31 : memref<80xi32, #tpu.memory_space<vmem>>) semaphore(%arg7 : memref<!tpu.dma_semaphore, #tpu.memory_space<semaphore_mem>>)
      %dma_start3A_35 = arith.constant 240 : i32
      %dma_start3A_36 = arith.constant 0 : i32
      %dma_start3A_37 = tpu.memref_slice %arg6[%dma_start3A_35, %dma_start3A_36] : memref<400x64xi32, #tpu.memory_space<vmem>> -> memref<80x64xi32, #tpu.memory_space<vmem>>
      %dma_start3A_38 = arith.constant 240 : i32
      %dma_start3A_39 = tpu.memref_slice %arg5[%dma_start3A_38] : memref<400xi32, #tpu.memory_space<vmem>> -> memref<80xi32, #tpu.memory_space<vmem>>
      %dma_start3A_40 = arith.constant 0 : i32
      %dma_start3A_41 = arith.constant 0 : i32
      %dma_start3A_42 = tpu.memref_slice %arg2[%dma_start3A_40, %dma_start3A_41] : memref<10000x64xi32, #tpu.memory_space<hbm>> -> memref<10000x64xi32, #tpu.memory_space<hbm>>
      tpu.enqueue_indirect_dma source(%dma_start3A_42 : memref<10000x64xi32, #tpu.memory_space<hbm>>) target(%dma_start3A_37 : memref<80x64xi32, #tpu.memory_space<vmem>>) offsets(%dma_start3A_39 : memref<80xi32, #tpu.memory_space<vmem>>) semaphore(%arg7 : memref<!tpu.dma_semaphore, #tpu.memory_space<semaphore_mem>>)
      %dma_start3A_43 = arith.constant 320 : i32
      %dma_start3A_44 = arith.constant 0 : i32
      %dma_start3A_45 = tpu.memref_slice %arg6[%dma_start3A_43, %dma_start3A_44] : memref<400x64xi32, #tpu.memory_space<vmem>> -> memref<80x64xi32, #tpu.memory_space<vmem>>
      %dma_start3A_46 = arith.constant 320 : i32
      %dma_start3A_47 = tpu.memref_slice %arg5[%dma_start3A_46] : memref<400xi32, #tpu.memory_space<vmem>> -> memref<80xi32, #tpu.memory_space<vmem>>
      %dma_start3A_48 = arith.constant 0 : i32
      %dma_start3A_49 = arith.constant 0 : i32
      %dma_start3A_50 = tpu.memref_slice %arg2[%dma_start3A_48, %dma_start3A_49] : memref<10000x64xi32, #tpu.memory_space<hbm>> -> memref<10000x64xi32, #tpu.memory_space<hbm>>
      tpu.enqueue_indirect_dma source(%dma_start3A_50 : memref<10000x64xi32, #tpu.memory_space<hbm>>) target(%dma_start3A_45 : memref<80x64xi32, #tpu.memory_space<vmem>>) offsets(%dma_start3A_47 : memref<80xi32, #tpu.memory_space<vmem>>) semaphore(%arg7 : memref<!tpu.dma_semaphore, #tpu.memory_space<semaphore_mem>>)
      %dma_wait3A = arith.constant 0 : i32
      %dma_wait3A_51 = arith.constant 0 : i32
      %dma_wait3A_52 = tpu.memref_slice %arg6[%dma_wait3A, %dma_wait3A_51] : memref<400x64xi32, #tpu.memory_space<vmem>> -> memref<80x64xi32, #tpu.memory_space<vmem>>
      %dma_wait3A_53 = arith.constant 0 : i32
      %dma_wait3A_54 = tpu.memref_slice %arg5[%dma_wait3A_53] : memref<400xi32, #tpu.memory_space<vmem>> -> memref<80xi32, #tpu.memory_space<vmem>>
      %dma_wait3A_55 = arith.constant 0 : i32
      %dma_wait3A_56 = arith.constant 0 : i32
      %dma_wait3A_57 = tpu.memref_slice %arg2[%dma_wait3A_55, %dma_wait3A_56] : memref<10000x64xi32, #tpu.memory_space<hbm>> -> memref<10000x64xi32, #tpu.memory_space<hbm>>
      tpu.wait_indirect_dma semaphore(%arg7 : memref<!tpu.dma_semaphore, #tpu.memory_space<semaphore_mem>>) src(%dma_wait3A_57 : memref<10000x64xi32, #tpu.memory_space<hbm>>) dst(%dma_wait3A_52 : memref<80x64xi32, #tpu.memory_space<vmem>>)
      %dma_wait3A_58 = arith.constant 80 : i32
      %dma_wait3A_59 = arith.constant 0 : i32
      %dma_wait3A_60 = tpu.memref_slice %arg6[%dma_wait3A_58, %dma_wait3A_59] : memref<400x64xi32, #tpu.memory_space<vmem>> -> memref<80x64xi32, #tpu.memory_space<vmem>>
      %dma_wait3A_61 = arith.constant 80 : i32
      %dma_wait3A_62 = tpu.memref_slice %arg5[%dma_wait3A_61] : memref<400xi32, #tpu.memory_space<vmem>> -> memref<80xi32, #tpu.memory_space<vmem>>
      %dma_wait3A_63 = arith.constant 0 : i32
      %dma_wait3A_64 = arith.constant 0 : i32
      %dma_wait3A_65 = tpu.memref_slice %arg2[%dma_wait3A_63, %dma_wait3A_64] : memref<10000x64xi32, #tpu.memory_space<hbm>> -> memref<10000x64xi32, #tpu.memory_space<hbm>>
      tpu.wait_indirect_dma semaphore(%arg7 : memref<!tpu.dma_semaphore, #tpu.memory_space<semaphore_mem>>) src(%dma_wait3A_65 : memref<10000x64xi32, #tpu.memory_space<hbm>>) dst(%dma_wait3A_60 : memref<80x64xi32, #tpu.memory_space<vmem>>)
      %dma_wait3A_66 = arith.constant 160 : i32
      %dma_wait3A_67 = arith.constant 0 : i32
      %dma_wait3A_68 = tpu.memref_slice %arg6[%dma_wait3A_66, %dma_wait3A_67] : memref<400x64xi32, #tpu.memory_space<vmem>> -> memref<80x64xi32, #tpu.memory_space<vmem>>
      %dma_wait3A_69 = arith.constant 160 : i32
      %dma_wait3A_70 = tpu.memref_slice %arg5[%dma_wait3A_69] : memref<400xi32, #tpu.memory_space<vmem>> -> memref<80xi32, #tpu.memory_space<vmem>>
      %dma_wait3A_71 = arith.constant 0 : i32
      %dma_wait3A_72 = arith.constant 0 : i32
      %dma_wait3A_73 = tpu.memref_slice %arg2[%dma_wait3A_71, %dma_wait3A_72] : memref<10000x64xi32, #tpu.memory_space<hbm>> -> memref<10000x64xi32, #tpu.memory_space<hbm>>
      tpu.wait_indirect_dma semaphore(%arg7 : memref<!tpu.dma_semaphore, #tpu.memory_space<semaphore_mem>>) src(%dma_wait3A_73 : memref<10000x64xi32, #tpu.memory_space<hbm>>) dst(%dma_wait3A_68 : memref<80x64xi32, #tpu.memory_space<vmem>>)
      %dma_wait3A_74 = arith.constant 240 : i32
      %dma_wait3A_75 = arith.constant 0 : i32
      %dma_wait3A_76 = tpu.memref_slice %arg6[%dma_wait3A_74, %dma_wait3A_75] : memref<400x64xi32, #tpu.memory_space<vmem>> -> memref<80x64xi32, #tpu.memory_space<vmem>>
      %dma_wait3A_77 = arith.constant 240 : i32
      %dma_wait3A_78 = tpu.memref_slice %arg5[%dma_wait3A_77] : memref<400xi32, #tpu.memory_space<vmem>> -> memref<80xi32, #tpu.memory_space<vmem>>
      %dma_wait3A_79 = arith.constant 0 : i32
      %dma_wait3A_80 = arith.constant 0 : i32
      %dma_wait3A_81 = tpu.memref_slice %arg2[%dma_wait3A_79, %dma_wait3A_80] : memref<10000x64xi32, #tpu.memory_space<hbm>> -> memref<10000x64xi32, #tpu.memory_space<hbm>>
      tpu.wait_indirect_dma semaphore(%arg7 : memref<!tpu.dma_semaphore, #tpu.memory_space<semaphore_mem>>) src(%dma_wait3A_81 : memref<10000x64xi32, #tpu.memory_space<hbm>>) dst(%dma_wait3A_76 : memref<80x64xi32, #tpu.memory_space<vmem>>)
      %dma_wait3A_82 = arith.constant 320 : i32
      %dma_wait3A_83 = arith.constant 0 : i32
      %dma_wait3A_84 = tpu.memref_slice %arg6[%dma_wait3A_82, %dma_wait3A_83] : memref<400x64xi32, #tpu.memory_space<vmem>> -> memref<80x64xi32, #tpu.memory_space<vmem>>
      %dma_wait3A_85 = arith.constant 320 : i32
      %dma_wait3A_86 = tpu.memref_slice %arg5[%dma_wait3A_85] : memref<400xi32, #tpu.memory_space<vmem>> -> memref<80xi32, #tpu.memory_space<vmem>>
      %dma_wait3A_87 = arith.constant 0 : i32
      %dma_wait3A_88 = arith.constant 0 : i32
      %dma_wait3A_89 = tpu.memref_slice %arg2[%dma_wait3A_87, %dma_wait3A_88] : memref<10000x64xi32, #tpu.memory_space<hbm>> -> memref<10000x64xi32, #tpu.memory_space<hbm>>
      tpu.wait_indirect_dma semaphore(%arg7 : memref<!tpu.dma_semaphore, #tpu.memory_space<semaphore_mem>>) src(%dma_wait3A_89 : memref<10000x64xi32, #tpu.memory_space<hbm>>) dst(%dma_wait3A_84 : memref<80x64xi32, #tpu.memory_space<vmem>>)
      "tpu.region"() ({
        %run_scoped3A = tpu.sem_alloc : memref<!tpu.dma_semaphore, #tpu.memory_space<semaphore_mem>>
        %dma_start3A_90 = arith.constant 0 : i32
        %dma_start3A_91 = tpu.memref_slice %arg4[%mul3A_11, %dma_start3A_90] : memref<320000x64xi32, #tpu.memory_space<hbm>> -> memref<400x64xi32, #tpu.memory_space<hbm>>
        %dma_start3A_92 = arith.constant 0 : i32
        %dma_start3A_93 = tpu.memref_slice %arg4[%mul3A_11, %dma_start3A_92] : memref<320000x64xi32, #tpu.memory_space<hbm>> -> memref<400x64xi32, #tpu.memory_space<hbm>>
        tpu.enqueue_dma source(%arg6 : memref<400x64xi32, #tpu.memory_space<vmem>>) target(%dma_start3A_93 : memref<400x64xi32, #tpu.memory_space<hbm>>) target_semaphore(%run_scoped3A : memref<!tpu.dma_semaphore, #tpu.memory_space<semaphore_mem>>)
        %dma_wait3A_94 = arith.constant 0 : i32
        %dma_wait3A_95 = tpu.memref_slice %arg4[%mul3A_11, %dma_wait3A_94] : memref<320000x64xi32, #tpu.memory_space<hbm>> -> memref<400x64xi32, #tpu.memory_space<hbm>>
        %dma_wait3A_96 = arith.constant 0 : i32
        %dma_wait3A_97 = tpu.memref_slice %arg4[%mul3A_11, %dma_wait3A_96] : memref<320000x64xi32, #tpu.memory_space<hbm>> -> memref<400x64xi32, #tpu.memory_space<hbm>>
        tpu.wait_dma2 semaphore(%run_scoped3A : memref<!tpu.dma_semaphore, #tpu.memory_space<semaphore_mem>>) src(%arg6 : memref<400x64xi32, #tpu.memory_space<vmem>>) dst(%dma_wait3A_97 : memref<400x64xi32, #tpu.memory_space<hbm>>)
        tpu.yield
      }) : () -> ()
    }
    %scan3A_5 = arith.constant 25 : i32
    return
  }
}

module attributes {stable_mosaic.version = 14 : i64} {
  func.func @_stats_body(%arg0: i32, %arg1: memref<6400x64xi32, #tpu.memory_space<vmem>>, %arg2: memref<200x32x16xf32, #tpu.memory_space<vmem>>, %arg3: memref<200x128xf32, #tpu.memory_space<vmem>>, %arg4: memref<128x256xbf16, #tpu.memory_space<vmem>>, %arg5: memref<16x256xbf16, #tpu.memory_space<vmem>>, %arg6: memref<128x256xbf16, #tpu.memory_space<vmem>>, %arg7: memref<8x256xf32, #tpu.memory_space<vmem>>, %arg8: memref<8x256xf32, #tpu.memory_space<vmem>>, %arg9: memref<8x256xf32, #tpu.memory_space<vmem>>) attributes {dimension_semantics = [#tpu.dimension_semantics<arbitrary>], iteration_bounds = array<i64: 50>, scalar_prefetch = 0 : i64, scratch_operands = 0 : i64, tpu.core_type = #tpu.core_type<tc>, window_params = [{transform_indices = @transform_0, window_bounds = array<i64: 6400, 64>}, {transform_indices = @transform_1, window_bounds = array<i64: 200, 32, 16>}, {transform_indices = @transform_2, window_bounds = array<i64: 200, 128>}, {pipeline_mode = #tpu.pipeline_mode<synchronous>, transform_indices = @transform_3, window_bounds = array<i64: 128, 256>}, {pipeline_mode = #tpu.pipeline_mode<synchronous>, transform_indices = @transform_4, window_bounds = array<i64: 16, 256>}, {pipeline_mode = #tpu.pipeline_mode<synchronous>, transform_indices = @transform_5, window_bounds = array<i64: 128, 256>}, {pipeline_mode = #tpu.pipeline_mode<synchronous>, transform_indices = @transform_6, window_bounds = array<i64: 8, 256>}, {pipeline_mode = #tpu.pipeline_mode<synchronous>, transform_indices = @transform_7, window_bounds = array<i64: 8, 256>}, {pipeline_mode = #tpu.pipeline_mode<synchronous>, transform_indices = @transform_8, window_bounds = array<i64: 8, 256>}]} {
    %get3A = arith.constant 0 : index
    %get3A_0 = arith.constant 0 : index
    %get3A_1 = vector.load %arg1[%get3A, %get3A_0] : memref<6400x64xi32, #tpu.memory_space<vmem>>, vector<6400x64xi32>
    %shift_left3A = arith.constant 16 : i32
    %shift_left3A_2 = vector.broadcast %shift_left3A : i32 to vector<6400x64xi32>
    %shift_left3A_3 = arith.shli %get3A_1, %shift_left3A_2 : vector<6400x64xi32>
    %bitcast_convert_type3A = tpu.bitcast %shift_left3A_3 : vector<6400x64xi32> -> vector<6400x64xf32>
    %convert_element_type3A = arith.truncf %bitcast_convert_type3A : vector<6400x64xf32> to vector<6400x64xbf16>
    %and3A = arith.constant -65536 : i32
    %and3A_4 = vector.broadcast %and3A : i32 to vector<6400x64xi32>
    %and3A_5 = arith.andi %get3A_1, %and3A_4 : vector<6400x64xi32>
    %bitcast_convert_type3A_6 = tpu.bitcast %and3A_5 : vector<6400x64xi32> -> vector<6400x64xf32>
    %convert_element_type3A_7 = arith.truncf %bitcast_convert_type3A_6 : vector<6400x64xf32> to vector<6400x64xbf16>
    %concatenate3A = tpu.concatenate %convert_element_type3A, %convert_element_type3A_7 in 1 : vector<6400x64xbf16>, vector<6400x64xbf16> -> vector<6400x128xbf16>
    %get3A_8 = arith.constant 0 : index
    %get3A_9 = arith.constant 0 : index
    %get3A_10 = vector.load %arg4[%get3A_8, %get3A_9] : memref<128x256xbf16, #tpu.memory_space<vmem>>, vector<128x256xbf16>
    %dot_general3A = arith.constant dense<0.000000e+00> : vector<6400x256xf32>
    %dot_general3A_11 = tpu.matmul %concatenate3A, %get3A_10, %dot_general3A {dimension_numbers = #tpu.dot_dimension_numbers<[1], [0], [0], [1], [0, 0, 1, 1], [], []>, transpose_lhs_hint = false} : vector<6400x128xbf16>, vector<128x256xbf16>, vector<6400x256xf32> -> vector<6400x256xf32>
    %get3A_12 = arith.constant 0 : index
    %get3A_13 = arith.constant 0 : index
    %get3A_14 = arith.constant 0 : index
    %get3A_15 = vector.load %arg2[%get3A_12, %get3A_13, %get3A_14] : memref<200x32x16xf32, #tpu.memory_space<vmem>>, vector<200x32x16xf32>
    %reshape3A = vector.shape_cast %get3A_15 : vector<200x32x16xf32> to vector<6400x16xf32>
    %convert_element_type3A_16 = arith.truncf %reshape3A : vector<6400x16xf32> to vector<6400x16xbf16>
    %get3A_17 = arith.constant 0 : index
    %get3A_18 = arith.constant 0 : index
    %get3A_19 = vector.load %arg5[%get3A_17, %get3A_18] : memref<16x256xbf16, #tpu.memory_space<vmem>>, vector<16x256xbf16>
    %dot_general3A_20 = arith.constant dense<0.000000e+00> : vector<6400x256xf32>
    %dot_general3A_21 = tpu.matmul %convert_element_type3A_16, %get3A_19, %dot_general3A_20 {dimension_numbers = #tpu.dot_dimension_numbers<[1], [0], [0], [1], [0, 0, 1, 1], [], []>, transpose_lhs_hint = false} : vector<6400x16xbf16>, vector<16x256xbf16>, vector<6400x256xf32> -> vector<6400x256xf32>
    %get3A_22 = arith.constant 0 : index
    %get3A_23 = arith.constant 0 : index
    %get3A_24 = vector.load %arg3[%get3A_22, %get3A_23] : memref<200x128xf32, #tpu.memory_space<vmem>>, vector<200x128xf32>
    %convert_element_type3A_25 = arith.truncf %get3A_24 : vector<200x128xf32> to vector<200x128xbf16>
    %get3A_26 = arith.constant 0 : index
    %get3A_27 = arith.constant 0 : index
    %get3A_28 = vector.load %arg6[%get3A_26, %get3A_27] : memref<128x256xbf16, #tpu.memory_space<vmem>>, vector<128x256xbf16>
    %dot_general3A_29 = arith.constant dense<0.000000e+00> : vector<200x256xf32>
    %dot_general3A_30 = tpu.matmul %convert_element_type3A_25, %get3A_28, %dot_general3A_29 {dimension_numbers = #tpu.dot_dimension_numbers<[1], [0], [0], [1], [0, 0, 1, 1], [], []>, transpose_lhs_hint = false} : vector<200x128xbf16>, vector<128x256xbf16>, vector<200x256xf32> -> vector<200x256xf32>
    %get3A_31 = arith.constant 0 : index
    %get3A_32 = arith.constant 0 : index
    %get3A_33 = vector.load %arg7[%get3A_31, %get3A_32] : memref<8x256xf32, #tpu.memory_space<vmem>>, vector<1x256xf32>
    %add3A = vector.broadcast %get3A_33 : vector<1x256xf32> to vector<200x256xf32>
    %add3A_34 = arith.addf %dot_general3A_30, %add3A : vector<200x256xf32>
    %add3A_35 = arith.addf %dot_general3A_11, %dot_general3A_21 : vector<6400x256xf32>
    %reshape3A_36 = vector.shape_cast %add3A_35 : vector<6400x256xf32> to vector<200x32x256xf32>
    %broadcast_in_dim3A = vector.shape_cast %add3A_34 : vector<200x256xf32> to vector<200x1x256xf32>
    %add3A_37 = vector.broadcast %broadcast_in_dim3A : vector<200x1x256xf32> to vector<200x32x256xf32>
    %add3A_38 = arith.addf %reshape3A_36, %add3A_37 : vector<200x32x256xf32>
    %reduce_sum3A = arith.constant dense<0.000000e+00> : vector<256xf32>
    %reduce_sum3A_39 = vector.multi_reduction <add>, %add3A_38, %reduce_sum3A [0, 1] : vector<200x32x256xf32> to vector<256xf32>
    %broadcast_in_dim3A_40 = vector.shape_cast %reduce_sum3A_39 : vector<256xf32> to vector<1x1x256xf32>
    %reshape3A_41 = vector.shape_cast %broadcast_in_dim3A_40 : vector<1x1x256xf32> to vector<1x256xf32>
    %mul3A = arith.mulf %add3A_38, %add3A_38 : vector<200x32x256xf32>
    %reduce_sum3A_42 = arith.constant dense<0.000000e+00> : vector<256xf32>
    %reduce_sum3A_43 = vector.multi_reduction <add>, %mul3A, %reduce_sum3A_42 [0, 1] : vector<200x32x256xf32> to vector<256xf32>
    %broadcast_in_dim3A_44 = vector.shape_cast %reduce_sum3A_43 : vector<256xf32> to vector<1x1x256xf32>
    %reshape3A_45 = vector.shape_cast %broadcast_in_dim3A_44 : vector<1x1x256xf32> to vector<1x256xf32>
    %eq3A = arith.constant 0 : i32
    %eq3A_46 = arith.cmpi eq, %arg0, %eq3A : i32
    %convert_element_type3A_47 = arith.extui %eq3A_46 : i1 to i32
    %cond3A = arith.constant 0 : i32
    %cond3A_48 = arith.cmpi ne, %convert_element_type3A_47, %cond3A : i32
    scf.if %cond3A_48 {
      %broadcast_in_dim3A_66 = arith.constant 0.000000e+00 : f32
      %broadcast_in_dim3A_67 = vector.broadcast %broadcast_in_dim3A_66 : f32 to vector<8x256xf32>
      %swap3A_68 = arith.constant 0 : index
      %swap3A_69 = arith.constant 0 : index
      %swap3A_70 = vector.load %arg8[%swap3A_68, %swap3A_69] : memref<8x256xf32, #tpu.memory_space<vmem>>, vector<8x256xf32>
      tpu.vector_store %arg8[%swap3A_68, %swap3A_69], %broadcast_in_dim3A_67 {strides = array<i32>} : memref<8x256xf32, #tpu.memory_space<vmem>>, vector<8x256xf32>,
      %broadcast_in_dim3A_71 = arith.constant 0.000000e+00 : f32
      %broadcast_in_dim3A_72 = vector.broadcast %broadcast_in_dim3A_71 : f32 to vector<8x256xf32>
      %swap3A_73 = arith.constant 0 : index
      %swap3A_74 = arith.constant 0 : index
      %swap3A_75 = vector.load %arg9[%swap3A_73, %swap3A_74] : memref<8x256xf32, #tpu.memory_space<vmem>>, vector<8x256xf32>
      tpu.vector_store %arg9[%swap3A_73, %swap3A_74], %broadcast_in_dim3A_72 {strides = array<i32>} : memref<8x256xf32, #tpu.memory_space<vmem>>, vector<8x256xf32>,
    } else {
    }
    %get3A_49 = arith.constant 0 : index
    %get3A_50 = arith.constant 0 : index
    %get3A_51 = vector.load %arg8[%get3A_49, %get3A_50] : memref<8x256xf32, #tpu.memory_space<vmem>>, vector<8x256xf32>
    %broadcast_in_dim3A_52 = vector.shape_cast %reshape3A_41 : vector<1x256xf32> to vector<1x256xf32>
    %broadcast_in_dim3A_53 = vector.broadcast %broadcast_in_dim3A_52 : vector<1x256xf32> to vector<8x256xf32>
    %add3A_54 = arith.addf %get3A_51, %broadcast_in_dim3A_53 : vector<8x256xf32>
    %swap3A = arith.constant 0 : index
    %swap3A_55 = arith.constant 0 : index
    %swap3A_56 = vector.load %arg8[%swap3A, %swap3A_55] : memref<8x256xf32, #tpu.memory_space<vmem>>, vector<8x256xf32>
    tpu.vector_store %arg8[%swap3A, %swap3A_55], %add3A_54 {strides = array<i32>} : memref<8x256xf32, #tpu.memory_space<vmem>>, vector<8x256xf32>,
    %get3A_57 = arith.constant 0 : index
    %get3A_58 = arith.constant 0 : index
    %get3A_59 = vector.load %arg9[%get3A_57, %get3A_58] : memref<8x256xf32, #tpu.memory_space<vmem>>, vector<8x256xf32>
    %broadcast_in_dim3A_60 = vector.shape_cast %reshape3A_45 : vector<1x256xf32> to vector<1x256xf32>
    %broadcast_in_dim3A_61 = vector.broadcast %broadcast_in_dim3A_60 : vector<1x256xf32> to vector<8x256xf32>
    %add3A_62 = arith.addf %get3A_59, %broadcast_in_dim3A_61 : vector<8x256xf32>
    %swap3A_63 = arith.constant 0 : index
    %swap3A_64 = arith.constant 0 : index
    %swap3A_65 = vector.load %arg9[%swap3A_63, %swap3A_64] : memref<8x256xf32, #tpu.memory_space<vmem>>, vector<8x256xf32>
    tpu.vector_store %arg9[%swap3A_63, %swap3A_64], %add3A_62 {strides = array<i32>} : memref<8x256xf32, #tpu.memory_space<vmem>>, vector<8x256xf32>,
    return
  }
  func.func @transform_0(%arg0: i32) -> (i32, i32) {
    %c0_i32 = arith.constant 0 : i32
    %c0_i32_0 = arith.constant 0 : i32
    return %arg0, %c0_i32 : i32, i32
  }
  func.func @transform_1(%arg0: i32) -> (i32, i32, i32) {
    %c0_i32 = arith.constant 0 : i32
    %c0_i32_0 = arith.constant 0 : i32
    %c0_i32_1 = arith.constant 0 : i32
    return %arg0, %c0_i32, %c0_i32_0 : i32, i32, i32
  }
  func.func @transform_2(%arg0: i32) -> (i32, i32) {
    %c0_i32 = arith.constant 0 : i32
    %c0_i32_0 = arith.constant 0 : i32
    return %arg0, %c0_i32 : i32, i32
  }
  func.func @transform_3(%arg0: i32) -> (i32, i32) {
    %c0_i32 = arith.constant 0 : i32
    %c0_i32_0 = arith.constant 0 : i32
    %c0_i32_1 = arith.constant 0 : i32
    return %c0_i32, %c0_i32_0 : i32, i32
  }
  func.func @transform_4(%arg0: i32) -> (i32, i32) {
    %c0_i32 = arith.constant 0 : i32
    %c0_i32_0 = arith.constant 0 : i32
    %c0_i32_1 = arith.constant 0 : i32
    return %c0_i32, %c0_i32_0 : i32, i32
  }
  func.func @transform_5(%arg0: i32) -> (i32, i32) {
    %c0_i32 = arith.constant 0 : i32
    %c0_i32_0 = arith.constant 0 : i32
    %c0_i32_1 = arith.constant 0 : i32
    return %c0_i32, %c0_i32_0 : i32, i32
  }
  func.func @transform_6(%arg0: i32) -> (i32, i32) {
    %c0_i32 = arith.constant 0 : i32
    %c0_i32_0 = arith.constant 0 : i32
    %c0_i32_1 = arith.constant 0 : i32
    return %c0_i32, %c0_i32_0 : i32, i32
  }
  func.func @transform_7(%arg0: i32) -> (i32, i32) {
    %c0_i32 = arith.constant 0 : i32
    %c0_i32_0 = arith.constant 0 : i32
    %c0_i32_1 = arith.constant 0 : i32
    return %c0_i32, %c0_i32_0 : i32, i32
  }
  func.func @transform_8(%arg0: i32) -> (i32, i32) {
    %c0_i32 = arith.constant 0 : i32
    %c0_i32_0 = arith.constant 0 : i32
    %c0_i32_1 = arith.constant 0 : i32
    return %c0_i32, %c0_i32_0 : i32, i32
  }
}

module attributes {stable_mosaic.version = 14 : i64} {
  func.func @_apply_body(%arg0: i32, %arg1: memref<6400x64xi32, #tpu.memory_space<vmem>>, %arg2: memref<200x32x16xf32, #tpu.memory_space<vmem>>, %arg3: memref<200x128xf32, #tpu.memory_space<vmem>>, %arg4: memref<128x256xbf16, #tpu.memory_space<vmem>>, %arg5: memref<16x256xbf16, #tpu.memory_space<vmem>>, %arg6: memref<128x256xbf16, #tpu.memory_space<vmem>>, %arg7: memref<8x256xf32, #tpu.memory_space<vmem>>, %arg8: memref<200x6400xbf16, #tpu.memory_space<vmem>>, %arg9: memref<200x128xf32, #tpu.memory_space<vmem>>, %arg10: memref<8x128xf32, #tpu.memory_space<vmem>>, %arg11: memref<8x128xf32, #tpu.memory_space<vmem>>) attributes {dimension_semantics = [#tpu.dimension_semantics<arbitrary>], iteration_bounds = array<i64: 50>, scalar_prefetch = 0 : i64, scratch_operands = 0 : i64, tpu.core_type = #tpu.core_type<tc>, window_params = [{transform_indices = @transform_0, window_bounds = array<i64: 6400, 64>}, {transform_indices = @transform_1, window_bounds = array<i64: 200, 32, 16>}, {transform_indices = @transform_2, window_bounds = array<i64: 200, 128>}, {pipeline_mode = #tpu.pipeline_mode<synchronous>, transform_indices = @transform_3, window_bounds = array<i64: 128, 256>}, {pipeline_mode = #tpu.pipeline_mode<synchronous>, transform_indices = @transform_4, window_bounds = array<i64: 16, 256>}, {pipeline_mode = #tpu.pipeline_mode<synchronous>, transform_indices = @transform_5, window_bounds = array<i64: 128, 256>}, {pipeline_mode = #tpu.pipeline_mode<synchronous>, transform_indices = @transform_6, window_bounds = array<i64: 8, 256>}, {pipeline_mode = #tpu.pipeline_mode<synchronous>, transform_indices = @transform_7, window_bounds = array<i64: 200, 6400>}, {transform_indices = @transform_8, window_bounds = array<i64: 200, 128>}, {pipeline_mode = #tpu.pipeline_mode<synchronous>, transform_indices = @transform_9, window_bounds = array<i64: 8, 128>}, {pipeline_mode = #tpu.pipeline_mode<synchronous>, transform_indices = @transform_10, window_bounds = array<i64: 8, 128>}]} {
    %get3A = arith.constant 0 : index
    %get3A_0 = arith.constant 0 : index
    %get3A_1 = vector.load %arg1[%get3A, %get3A_0] : memref<6400x64xi32, #tpu.memory_space<vmem>>, vector<6400x64xi32>
    %shift_left3A = arith.constant 16 : i32
    %shift_left3A_2 = vector.broadcast %shift_left3A : i32 to vector<6400x64xi32>
    %shift_left3A_3 = arith.shli %get3A_1, %shift_left3A_2 : vector<6400x64xi32>
    %bitcast_convert_type3A = tpu.bitcast %shift_left3A_3 : vector<6400x64xi32> -> vector<6400x64xf32>
    %convert_element_type3A = arith.truncf %bitcast_convert_type3A : vector<6400x64xf32> to vector<6400x64xbf16>
    %and3A = arith.constant -65536 : i32
    %and3A_4 = vector.broadcast %and3A : i32 to vector<6400x64xi32>
    %and3A_5 = arith.andi %get3A_1, %and3A_4 : vector<6400x64xi32>
    %bitcast_convert_type3A_6 = tpu.bitcast %and3A_5 : vector<6400x64xi32> -> vector<6400x64xf32>
    %convert_element_type3A_7 = arith.truncf %bitcast_convert_type3A_6 : vector<6400x64xf32> to vector<6400x64xbf16>
    %concatenate3A = tpu.concatenate %convert_element_type3A, %convert_element_type3A_7 in 1 : vector<6400x64xbf16>, vector<6400x64xbf16> -> vector<6400x128xbf16>
    %get3A_8 = arith.constant 0 : index
    %get3A_9 = arith.constant 0 : index
    %get3A_10 = vector.load %arg4[%get3A_8, %get3A_9] : memref<128x256xbf16, #tpu.memory_space<vmem>>, vector<128x256xbf16>
    %dot_general3A = arith.constant dense<0.000000e+00> : vector<6400x256xf32>
    %dot_general3A_11 = tpu.matmul %concatenate3A, %get3A_10, %dot_general3A {dimension_numbers = #tpu.dot_dimension_numbers<[1], [0], [0], [1], [0, 0, 1, 1], [], []>, transpose_lhs_hint = false} : vector<6400x128xbf16>, vector<128x256xbf16>, vector<6400x256xf32> -> vector<6400x256xf32>
    %get3A_12 = arith.constant 0 : index
    %get3A_13 = arith.constant 0 : index
    %get3A_14 = arith.constant 0 : index
    %get3A_15 = vector.load %arg2[%get3A_12, %get3A_13, %get3A_14] : memref<200x32x16xf32, #tpu.memory_space<vmem>>, vector<200x32x16xf32>
    %reshape3A = vector.shape_cast %get3A_15 : vector<200x32x16xf32> to vector<6400x16xf32>
    %convert_element_type3A_16 = arith.truncf %reshape3A : vector<6400x16xf32> to vector<6400x16xbf16>
    %get3A_17 = arith.constant 0 : index
    %get3A_18 = arith.constant 0 : index
    %get3A_19 = vector.load %arg5[%get3A_17, %get3A_18] : memref<16x256xbf16, #tpu.memory_space<vmem>>, vector<16x256xbf16>
    %dot_general3A_20 = arith.constant dense<0.000000e+00> : vector<6400x256xf32>
    %dot_general3A_21 = tpu.matmul %convert_element_type3A_16, %get3A_19, %dot_general3A_20 {dimension_numbers = #tpu.dot_dimension_numbers<[1], [0], [0], [1], [0, 0, 1, 1], [], []>, transpose_lhs_hint = false} : vector<6400x16xbf16>, vector<16x256xbf16>, vector<6400x256xf32> -> vector<6400x256xf32>
    %get3A_22 = arith.constant 0 : index
    %get3A_23 = arith.constant 0 : index
    %get3A_24 = vector.load %arg3[%get3A_22, %get3A_23] : memref<200x128xf32, #tpu.memory_space<vmem>>, vector<200x128xf32>
    %convert_element_type3A_25 = arith.truncf %get3A_24 : vector<200x128xf32> to vector<200x128xbf16>
    %get3A_26 = arith.constant 0 : index
    %get3A_27 = arith.constant 0 : index
    %get3A_28 = vector.load %arg6[%get3A_26, %get3A_27] : memref<128x256xbf16, #tpu.memory_space<vmem>>, vector<128x256xbf16>
    %dot_general3A_29 = arith.constant dense<0.000000e+00> : vector<200x256xf32>
    %dot_general3A_30 = tpu.matmul %convert_element_type3A_25, %get3A_28, %dot_general3A_29 {dimension_numbers = #tpu.dot_dimension_numbers<[1], [0], [0], [1], [0, 0, 1, 1], [], []>, transpose_lhs_hint = false} : vector<200x128xbf16>, vector<128x256xbf16>, vector<200x256xf32> -> vector<200x256xf32>
    %get3A_31 = arith.constant 0 : index
    %get3A_32 = arith.constant 0 : index
    %get3A_33 = vector.load %arg7[%get3A_31, %get3A_32] : memref<8x256xf32, #tpu.memory_space<vmem>>, vector<1x256xf32>
    %add3A = vector.broadcast %get3A_33 : vector<1x256xf32> to vector<200x256xf32>
    %add3A_34 = arith.addf %dot_general3A_30, %add3A : vector<200x256xf32>
    %add3A_35 = arith.addf %dot_general3A_11, %dot_general3A_21 : vector<6400x256xf32>
    %reshape3A_36 = vector.shape_cast %add3A_35 : vector<6400x256xf32> to vector<200x32x256xf32>
    %broadcast_in_dim3A = vector.shape_cast %add3A_34 : vector<200x256xf32> to vector<200x1x256xf32>
    %add3A_37 = vector.broadcast %broadcast_in_dim3A : vector<200x1x256xf32> to vector<200x32x256xf32>
    %add3A_38 = arith.addf %reshape3A_36, %add3A_37 : vector<200x32x256xf32>
    %reshape3A_39 = vector.shape_cast %add3A_38 : vector<200x32x256xf32> to vector<6400x256xf32>
    %slice3A = vector.extract_strided_slice %reshape3A_39 {offsets = [0, 0], sizes = [6400, 128], strides = [1, 1]} : vector<6400x256xf32> to vector<6400x128xf32>
    %neg3A = arith.constant 0.000000e+00 : f32
    %neg3A_40 = vector.broadcast %neg3A : f32 to vector<6400x128xf32>
    %neg3A_41 = arith.subf %neg3A_40, %slice3A : vector<6400x128xf32>
    %exp3A = math.exp %neg3A_41 : vector<6400x128xf32>
    %add3A_42 = arith.constant 1.000000e+00 : f32
    %add3A_43 = vector.broadcast %add3A_42 : f32 to vector<6400x128xf32>
    %add3A_44 = arith.addf %add3A_43, %exp3A : vector<6400x128xf32>
    %div3A = arith.constant 1.000000e+00 : f32
    %div3A_45 = vector.broadcast %div3A : f32 to vector<6400x128xf32>
    %div3A_46 = arith.divf %div3A_45, %add3A_44 : vector<6400x128xf32>
    %slice3A_47 = vector.extract_strided_slice %reshape3A_39 {offsets = [0, 128], sizes = [6400, 128], strides = [1, 1]} : vector<6400x256xf32> to vector<6400x128xf32>
    %max3A = arith.constant 0.000000e+00 : f32
    %max3A_48 = vector.broadcast %max3A : f32 to vector<6400x128xf32>
    %max3A_49 = arith.maximumf %slice3A_47, %max3A_48 : vector<6400x128xf32>
    %abs3A = math.absf %slice3A_47 : vector<6400x128xf32>
    %neg3A_50 = arith.constant 0.000000e+00 : f32
    %neg3A_51 = vector.broadcast %neg3A_50 : f32 to vector<6400x128xf32>
    %neg3A_52 = arith.subf %neg3A_51, %abs3A : vector<6400x128xf32>
    %exp3A_53 = math.exp %neg3A_52 : vector<6400x128xf32>
    %log1p3A = math.log1p %exp3A_53 : vector<6400x128xf32>
    %add3A_54 = arith.addf %max3A_49, %log1p3A : vector<6400x128xf32>
    %mul3A = arith.mulf %div3A_46, %add3A_54 : vector<6400x128xf32>
    %convert_element_type3A_55 = arith.truncf %mul3A : vector<6400x128xf32> to vector<6400x128xbf16>
    %get3A_56 = arith.constant 0 : index
    %get3A_57 = arith.constant 0 : index
    %get3A_58 = vector.load %arg8[%get3A_56, %get3A_57] : memref<200x6400xbf16, #tpu.memory_space<vmem>>, vector<200x6400xbf16>
    %dot_general3A_59 = arith.constant dense<0.000000e+00> : vector<200x128xf32>
    %dot_general3A_60 = tpu.matmul %get3A_58, %convert_element_type3A_55, %dot_general3A_59 {dimension_numbers = #tpu.dot_dimension_numbers<[1], [0], [0], [1], [0, 0, 1, 1], [], []>, transpose_lhs_hint = false} : vector<200x6400xbf16>, vector<6400x128xbf16>, vector<200x128xf32> -> vector<200x128xf32>
    %swap3A = arith.constant 0 : index
    %swap3A_61 = arith.constant 0 : index
    %swap3A_62 = vector.load %arg9[%swap3A, %swap3A_61] : memref<200x128xf32, #tpu.memory_space<vmem>>, vector<200x128xf32>
    tpu.vector_store %arg9[%swap3A, %swap3A_61], %dot_general3A_60 {strides = array<i32>} : memref<200x128xf32, #tpu.memory_space<vmem>>, vector<200x128xf32>,
    %reduce_sum3A = arith.constant dense<0.000000e+00> : vector<128xf32>
    %reduce_sum3A_63 = vector.multi_reduction <add>, %dot_general3A_60, %reduce_sum3A [0] : vector<200x128xf32> to vector<128xf32>
    %broadcast_in_dim3A_64 = vector.shape_cast %reduce_sum3A_63 : vector<128xf32> to vector<1x128xf32>
    %mul3A_65 = arith.mulf %dot_general3A_60, %dot_general3A_60 : vector<200x128xf32>
    %reduce_sum3A_66 = arith.constant dense<0.000000e+00> : vector<128xf32>
    %reduce_sum3A_67 = vector.multi_reduction <add>, %mul3A_65, %reduce_sum3A_66 [0] : vector<200x128xf32> to vector<128xf32>
    %broadcast_in_dim3A_68 = vector.shape_cast %reduce_sum3A_67 : vector<128xf32> to vector<1x128xf32>
    %eq3A = arith.constant 0 : i32
    %eq3A_69 = arith.cmpi eq, %arg0, %eq3A : i32
    %convert_element_type3A_70 = arith.extui %eq3A_69 : i1 to i32
    %cond3A = arith.constant 0 : i32
    %cond3A_71 = arith.cmpi ne, %convert_element_type3A_70, %cond3A : i32
    scf.if %cond3A_71 {
      %broadcast_in_dim3A_90 = arith.constant 0.000000e+00 : f32
      %broadcast_in_dim3A_91 = vector.broadcast %broadcast_in_dim3A_90 : f32 to vector<8x128xf32>
      %swap3A_92 = arith.constant 0 : index
      %swap3A_93 = arith.constant 0 : index
      %swap3A_94 = vector.load %arg10[%swap3A_92, %swap3A_93] : memref<8x128xf32, #tpu.memory_space<vmem>>, vector<8x128xf32>
      tpu.vector_store %arg10[%swap3A_92, %swap3A_93], %broadcast_in_dim3A_91 {strides = array<i32>} : memref<8x128xf32, #tpu.memory_space<vmem>>, vector<8x128xf32>,
      %broadcast_in_dim3A_95 = arith.constant 0.000000e+00 : f32
      %broadcast_in_dim3A_96 = vector.broadcast %broadcast_in_dim3A_95 : f32 to vector<8x128xf32>
      %swap3A_97 = arith.constant 0 : index
      %swap3A_98 = arith.constant 0 : index
      %swap3A_99 = vector.load %arg11[%swap3A_97, %swap3A_98] : memref<8x128xf32, #tpu.memory_space<vmem>>, vector<8x128xf32>
      tpu.vector_store %arg11[%swap3A_97, %swap3A_98], %broadcast_in_dim3A_96 {strides = array<i32>} : memref<8x128xf32, #tpu.memory_space<vmem>>, vector<8x128xf32>,
    } else {
    }
    %get3A_72 = arith.constant 0 : index
    %get3A_73 = arith.constant 0 : index
    %get3A_74 = vector.load %arg10[%get3A_72, %get3A_73] : memref<8x128xf32, #tpu.memory_space<vmem>>, vector<8x128xf32>
    %broadcast_in_dim3A_75 = vector.shape_cast %broadcast_in_dim3A_64 : vector<1x128xf32> to vector<1x128xf32>
    %broadcast_in_dim3A_76 = vector.broadcast %broadcast_in_dim3A_75 : vector<1x128xf32> to vector<8x128xf32>
    %add3A_77 = arith.addf %get3A_74, %broadcast_in_dim3A_76 : vector<8x128xf32>
    %swap3A_78 = arith.constant 0 : index
    %swap3A_79 = arith.constant 0 : index
    %swap3A_80 = vector.load %arg10[%swap3A_78, %swap3A_79] : memref<8x128xf32, #tpu.memory_space<vmem>>, vector<8x128xf32>
    tpu.vector_store %arg10[%swap3A_78, %swap3A_79], %add3A_77 {strides = array<i32>} : memref<8x128xf32, #tpu.memory_space<vmem>>, vector<8x128xf32>,
    %get3A_81 = arith.constant 0 : index
    %get3A_82 = arith.constant 0 : index
    %get3A_83 = vector.load %arg11[%get3A_81, %get3A_82] : memref<8x128xf32, #tpu.memory_space<vmem>>, vector<8x128xf32>
    %broadcast_in_dim3A_84 = vector.shape_cast %broadcast_in_dim3A_68 : vector<1x128xf32> to vector<1x128xf32>
    %broadcast_in_dim3A_85 = vector.broadcast %broadcast_in_dim3A_84 : vector<1x128xf32> to vector<8x128xf32>
    %add3A_86 = arith.addf %get3A_83, %broadcast_in_dim3A_85 : vector<8x128xf32>
    %swap3A_87 = arith.constant 0 : index
    %swap3A_88 = arith.constant 0 : index
    %swap3A_89 = vector.load %arg11[%swap3A_87, %swap3A_88] : memref<8x128xf32, #tpu.memory_space<vmem>>, vector<8x128xf32>
    tpu.vector_store %arg11[%swap3A_87, %swap3A_88], %add3A_86 {strides = array<i32>} : memref<8x128xf32, #tpu.memory_space<vmem>>, vector<8x128xf32>,
    return
  }
  func.func @transform_0(%arg0: i32) -> (i32, i32) {
    %c0_i32 = arith.constant 0 : i32
    %c0_i32_0 = arith.constant 0 : i32
    return %arg0, %c0_i32 : i32, i32
  }
  func.func @transform_1(%arg0: i32) -> (i32, i32, i32) {
    %c0_i32 = arith.constant 0 : i32
    %c0_i32_0 = arith.constant 0 : i32
    %c0_i32_1 = arith.constant 0 : i32
    return %arg0, %c0_i32, %c0_i32_0 : i32, i32, i32
  }
  func.func @transform_2(%arg0: i32) -> (i32, i32) {
    %c0_i32 = arith.constant 0 : i32
    %c0_i32_0 = arith.constant 0 : i32
    return %arg0, %c0_i32 : i32, i32
  }
  func.func @transform_3(%arg0: i32) -> (i32, i32) {
    %c0_i32 = arith.constant 0 : i32
    %c0_i32_0 = arith.constant 0 : i32
    %c0_i32_1 = arith.constant 0 : i32
    return %c0_i32, %c0_i32_0 : i32, i32
  }
  func.func @transform_4(%arg0: i32) -> (i32, i32) {
    %c0_i32 = arith.constant 0 : i32
    %c0_i32_0 = arith.constant 0 : i32
    %c0_i32_1 = arith.constant 0 : i32
    return %c0_i32, %c0_i32_0 : i32, i32
  }
  func.func @transform_5(%arg0: i32) -> (i32, i32) {
    %c0_i32 = arith.constant 0 : i32
    %c0_i32_0 = arith.constant 0 : i32
    %c0_i32_1 = arith.constant 0 : i32
    return %c0_i32, %c0_i32_0 : i32, i32
  }
  func.func @transform_6(%arg0: i32) -> (i32, i32) {
    %c0_i32 = arith.constant 0 : i32
    %c0_i32_0 = arith.constant 0 : i32
    %c0_i32_1 = arith.constant 0 : i32
    return %c0_i32, %c0_i32_0 : i32, i32
  }
  func.func @transform_7(%arg0: i32) -> (i32, i32) {
    %c0_i32 = arith.constant 0 : i32
    %c0_i32_0 = arith.constant 0 : i32
    %c0_i32_1 = arith.constant 0 : i32
    return %c0_i32, %c0_i32_0 : i32, i32
  }
  func.func @transform_8(%arg0: i32) -> (i32, i32) {
    %c0_i32 = arith.constant 0 : i32
    %c0_i32_0 = arith.constant 0 : i32
    return %arg0, %c0_i32 : i32, i32
  }
  func.func @transform_9(%arg0: i32) -> (i32, i32) {
    %c0_i32 = arith.constant 0 : i32
    %c0_i32_0 = arith.constant 0 : i32
    %c0_i32_1 = arith.constant 0 : i32
    return %c0_i32, %c0_i32_0 : i32, i32
  }
  func.func @transform_10(%arg0: i32) -> (i32, i32) {
    %c0_i32 = arith.constant 0 : i32
    %c0_i32_0 = arith.constant 0 : i32
    %c0_i32_1 = arith.constant 0 : i32
    return %c0_i32, %c0_i32_0 : i32, i32
  }
}

module attributes {stable_mosaic.version = 14 : i64} {
  func.func @_final_body(%arg0: i32, %arg1: memref<200x128xf32, #tpu.memory_space<vmem>>, %arg2: memref<200x128xf32, #tpu.memory_space<vmem>>, %arg3: memref<8x128xf32, #tpu.memory_space<vmem>>, %arg4: memref<8x128xf32, #tpu.memory_space<vmem>>, %arg5: memref<200x128xf32, #tpu.memory_space<vmem>>) attributes {dimension_semantics = [#tpu.dimension_semantics<arbitrary>], iteration_bounds = array<i64: 50>, scalar_prefetch = 0 : i64, scratch_operands = 0 : i64, tpu.core_type = #tpu.core_type<tc>, window_params = [{transform_indices = @transform_0, window_bounds = array<i64: 200, 128>}, {transform_indices = @transform_1, window_bounds = array<i64: 200, 128>}, {pipeline_mode = #tpu.pipeline_mode<synchronous>, transform_indices = @transform_2, window_bounds = array<i64: 8, 128>}, {pipeline_mode = #tpu.pipeline_mode<synchronous>, transform_indices = @transform_3, window_bounds = array<i64: 8, 128>}, {transform_indices = @transform_4, window_bounds = array<i64: 200, 128>}]} {
    %get3A = arith.constant 0 : index
    %get3A_0 = arith.constant 0 : index
    %get3A_1 = vector.load %arg2[%get3A, %get3A_0] : memref<200x128xf32, #tpu.memory_space<vmem>>, vector<200x128xf32>
    %get3A_2 = arith.constant 0 : index
    %get3A_3 = arith.constant 0 : index
    %get3A_4 = vector.load %arg3[%get3A_2, %get3A_3] : memref<8x128xf32, #tpu.memory_space<vmem>>, vector<1x128xf32>
    %mul3A = vector.broadcast %get3A_4 : vector<1x128xf32> to vector<200x128xf32>
    %mul3A_5 = arith.mulf %get3A_1, %mul3A : vector<200x128xf32>
    %get3A_6 = arith.constant 0 : index
    %get3A_7 = arith.constant 0 : index
    %get3A_8 = vector.load %arg4[%get3A_6, %get3A_7] : memref<8x128xf32, #tpu.memory_space<vmem>>, vector<1x128xf32>
    %add3A = vector.broadcast %get3A_8 : vector<1x128xf32> to vector<200x128xf32>
    %add3A_9 = arith.addf %mul3A_5, %add3A : vector<200x128xf32>
    %get3A_10 = arith.constant 0 : index
    %get3A_11 = arith.constant 0 : index
    %get3A_12 = vector.load %arg1[%get3A_10, %get3A_11] : memref<200x128xf32, #tpu.memory_space<vmem>>, vector<200x128xf32>
    %add3A_13 = arith.addf %get3A_12, %add3A_9 : vector<200x128xf32>
    %max3A = arith.constant 0.000000e+00 : f32
    %max3A_14 = vector.broadcast %max3A : f32 to vector<200x128xf32>
    %max3A_15 = arith.maximumf %add3A_13, %max3A_14 : vector<200x128xf32>
    %abs3A = math.absf %add3A_13 : vector<200x128xf32>
    %neg3A = arith.constant 0.000000e+00 : f32
    %neg3A_16 = vector.broadcast %neg3A : f32 to vector<200x128xf32>
    %neg3A_17 = arith.subf %neg3A_16, %abs3A : vector<200x128xf32>
    %exp3A = math.exp %neg3A_17 : vector<200x128xf32>
    %log1p3A = math.log1p %exp3A : vector<200x128xf32>
    %add3A_18 = arith.addf %max3A_15, %log1p3A : vector<200x128xf32>
    %swap3A = arith.constant 0 : index
    %swap3A_19 = arith.constant 0 : index
    %swap3A_20 = vector.load %arg5[%swap3A, %swap3A_19] : memref<200x128xf32, #tpu.memory_space<vmem>>, vector<200x128xf32>
    tpu.vector_store %arg5[%swap3A, %swap3A_19], %add3A_18 {strides = array<i32>} : memref<200x128xf32, #tpu.memory_space<vmem>>, vector<200x128xf32>,
    return
  }
  func.func @transform_0(%arg0: i32) -> (i32, i32) {
    %c0_i32 = arith.constant 0 : i32
    %c0_i32_0 = arith.constant 0 : i32
    return %arg0, %c0_i32 : i32, i32
  }
  func.func @transform_1(%arg0: i32) -> (i32, i32) {
    %c0_i32 = arith.constant 0 : i32
    %c0_i32_0 = arith.constant 0 : i32
    return %arg0, %c0_i32 : i32, i32
  }
  func.func @transform_2(%arg0: i32) -> (i32, i32) {
    %c0_i32 = arith.constant 0 : i32
    %c0_i32_0 = arith.constant 0 : i32
    %c0_i32_1 = arith.constant 0 : i32
    return %c0_i32, %c0_i32_0 : i32, i32
  }
  func.func @transform_3(%arg0: i32) -> (i32, i32) {
    %c0_i32 = arith.constant 0 : i32
    %c0_i32_0 = arith.constant 0 : i32
    %c0_i32_1 = arith.constant 0 : i32
    return %c0_i32, %c0_i32_0 : i32, i32
  }
  func.func @transform_4(%arg0: i32) -> (i32, i32) {
    %c0_i32 = arith.constant 0 : i32
    %c0_i32_0 = arith.constant 0 : i32
    return %arg0, %c0_i32 : i32, i32
  }
}

</mosaic_0001>

<sc_bundles>
// kernel: kernel.6.cloned.1.call-start
scs
__scs_entry_jumppad:
0x0: {  	(pc) =	sbr.rel $0x88, $3  }
0x1: {  	(tag) =	ssettag $0x0;
	lr =	simm.s32 $0x1  }
0x2: {  	[smem:$0x3F9C] =	sst lr;
	_ =	strace $0xD0000000  }
0x3: {  	_ = 	snop  }
0x4: {  	_ = 	snop  }
0x5: {  	_ = 	snop  }
0x6: {  	_ = 	snop  }
0x7: {  	_ = 	snop  }
__scs_overlays_trampoline_lowered:
0x8: {  	[smem:$0x3FAB] =	sst s0  }
0x9: {  	[smem:$0x3FAC] =	sst s1  }
0xa: {  	[smem:$0x3FAD] =	sst s2  }
0xb: {  	[smem:$0x3FAE] =	sst s3  }
0xc: {  	[smem:$0x3FAF] =	sst s4  }
0xd: {  	[smem:$0x3FB0] =	sst s5  }
0xe: {  	[smem:$0x3FB1] =	sst s6  }
0xf: {  	[smem:$0x3FB2] =	sst s7  }
0x10: {  	[smem:$0x3FB3] =	sst s8  }
0x11: {  	[smem:$0x3FB4] =	sst s9;
	s0 =	simm.s32 @!p0 $0x0  }
0x12: {  	s1 =	sld [smem:$0x3F9A];
	s0 =	simm.s32 @p0 $0x1  }
0x13: {  	[smem:$0x3FB5] =	sst s0;
	s0 =	simm.s32 @!p1 $0x0  }
0x14: {  	s2 =	sld [smem:$0x3F99];
	s0 =	simm.s32 @p1 $0x1  }
0x15: {  	[smem:$0x3FB6] =	sst s0;
	s0 =	simm.s32 @!p2 $0x0  }
0x16: {  	s3 =	sld [smem:$0x3FDB];
	s0 =	simm.s32 @p2 $0x1  }
0x17: {  	s4 =	simm.s32 $0x1BF5;
	[smem:$0x3FB8] =	sst s0  }
0x18: {  	s0 =	sld [smem:$0x3F9B];
	_ =	swait.ge [sflag:s4], $0x0  }
0x19: {  	s7 =	sld [smem:$0x3F9C]  }
0x1a: {  	s8 =	sadd.s32 $0xFFFFE003, lr  }
0x1b: {  	s9 =	sadd.s32 $0xFFFFFEF7, lr;
	s5 =	simm.s32 $0xFFFFFFFF;
	p2 =	slt.u32 s8, $0xFFFFF086  }
0x1c: {  	p1 =	slt.u32 s9, $0xF7A;
	s5 =	simm.s32 @!p2 $0x0  }
0x1d: {  	s5 =	simm.s32 @p1 $0x1;
	p0 =	seq.s32 s7, s2  }
0x1e: {  	s7 =	smul.u32 @!p0 $0xF7A, s2;
	p2 =	seq.s32 @!p0 s5, $0x0  }
0x1f: {  	s9 =	smul.u32 $0xF7A, s1;
	s8 =	simm.s32 @!p0 $0x1BF5;
	p2 =	por !p2, p0  }
0x20: {  	[sflag:s8] =	ssyncset.s32 @!p0 $0xFFFFF086;
	s6 =	sadd.s32 @!p0 s3, s7;
	s7 =	simm.s32 @!p0 $0x108  }
0x21: {  	s3 =	sadd.s32 s3, s9;
	s6 =	sadd.s32 @!p0 $0x88, s6;
	s7 =	simm.s32 @p2 $0x1082  }
0x22: {  	[simem:s7], [sflag:s8] =	dma.local @!p0 [hbm:s6], $0xF7A  }
0x23: {  	s9 =	sor.u32 $0xD0000000, s2;
	s6 =	simm.s32 $0x108;
	_ =	swait.ge @!p0 [sflag:s8], $0x0  }
0x24: {  	s3 =	sadd.s32 $0x88, s3;
	s6 =	simm.s32 @!p1 $0x1082;
	[sflag:s4] =	ssyncset.s32 $0xFFFFF086  }
0x25: {  	[simem:s6], [sflag:s4] =	dma.local [hbm:s3], $0xF7A  }
0x26: {  	[smem:$0x3F9C] =	sst s1;
	(tag) =	ssettag s2;
	_ =	strace s9  }
0x27: {  	s1 =	sld [smem:$0x3FAC]  }
0x28: {  	s2 =	sld [smem:$0x3FAD]  }
0x29: {  	s4 =	sld [smem:$0x3FAF]  }
0x2a: {  	p0 =	seq.s32 s5, $0x0;
	s5 =	sld [smem:$0x3FB0]  }
0x2b: {  	s6 =	sld [smem:$0x3FB1]  }
0x2c: {  	s7 =	sld [smem:$0x3FB2]  }
0x2d: {  	s3 =	simm.s32 $0x108;
	s8 =	sld [smem:$0x3FB3]  }
0x2e: {  	s3 =	simm.s32 @!p0 $0x1082;
	s9 =	sld [smem:$0x3FB4]  }
0x2f: {  	lr =	sadd.s32 s0, s3;
	s0 =	sld [smem:$0x3FAB]  }
0x30: {  	s3 =	sld [smem:$0x3FAE]  }
0x31: {  	[smem:$0x3FB7] =	sst s10  }
0x32: {  	s10 =	sld [smem:$0x3FB5];
	_ =	sdelay $0x3  }
0x33: {  	p0 =	seq.s32 s10, $0x1;
	s10 =	sld [smem:$0x3FB7];
	_ =	sdelay $0x3  }
0x34: {  	[smem:$0x3FB7] =	sst s10  }
0x35: {  	s10 =	sld [smem:$0x3FB6];
	_ =	sdelay $0x3  }
0x36: {  	p1 =	seq.s32 s10, $0x1;
	s10 =	sld [smem:$0x3FB7];
	_ =	sdelay $0x3  }
0x37: {  	[smem:$0x3FB7] =	sst s10  }
0x38: {  	s10 =	sld [smem:$0x3FB8]  }
0x39: {  	_ = 	snop;
	(pc) =	sbr.ind lr, $3  }
0x3a: {  	_ = 	snop  }
0x3b: {  	_ = 	snop  }
0x3c: {  	p2 =	seq.s32 s10, $0x1;
	s10 =	sld [smem:$0x3FB7]  }
0x3d: {  	_ =	shalt  }
0x3e: {  	_ =	shalt  }
0x3f: {  	_ =	shalt  }
0x40: {  	_ =	shalt  }
0x41: {  	_ =	shalt  }
0x42: {  	_ =	shalt  }
0x43: {  	_ =	shalt  }
0x44: {  	_ =	shalt  }
0x45: {  	_ =	shalt  }
0x46: {  	_ =	shalt  }
0x47: {  	_ =	shalt  }
0x48: {  	_ =	shalt  }
0x49: {  	_ =	shalt  }
0x4a: {  	_ =	shalt  }
0x4b: {  	_ =	shalt  }
0x4c: {  	_ =	shalt  }
0x4d: {  	_ =	shalt  }
0x4e: {  	_ =	shalt  }
0x4f: {  	_ =	shalt  }
0x50: {  	_ =	shalt  }
0x51: {  	_ =	shalt  }
0x52: {  	_ =	shalt  }
0x53: {  	_ =	shalt  }
0x54: {  	_ =	shalt  }
0x55: {  	_ =	shalt  }
0x56: {  	_ =	shalt  }
0x57: {  	_ =	shalt  }
0x58: {  	_ =	shalt  }
0x59: {  	_ =	shalt  }
0x5a: {  	_ =	shalt  }
0x5b: {  	_ =	shalt  }
0x5c: {  	_ =	shalt  }
0x5d: {  	_ =	shalt  }
0x5e: {  	_ =	shalt  }
0x5f: {  	_ =	shalt  }
0x60: {  	_ =	shalt  }
0x61: {  	_ =	shalt  }
0x62: {  	_ =	shalt  }
0x63: {  	_ =	shalt  }
0x64: {  	_ =	shalt  }
0x65: {  	_ =	shalt  }
0x66: {  	_ =	shalt  }
0x67: {  	_ =	shalt  }
0x68: {  	_ =	shalt  }
0x69: {  	_ =	shalt  }
0x6a: {  	_ =	shalt  }
0x6b: {  	_ =	shalt  }
0x6c: {  	_ =	shalt  }
0x6d: {  	_ =	shalt  }
0x6e: {  	_ =	shalt  }
0x6f: {  	_ =	shalt  }
0x70: {  	_ =	shalt  }
0x71: {  	_ =	shalt  }
0x72: {  	_ =	shalt  }
0x73: {  	_ =	shalt  }
0x74: {  	_ =	shalt  }
0x75: {  	_ =	shalt  }
0x76: {  	_ =	shalt  }
0x77: {  	_ =	shalt  }
0x78: {  	_ =	shalt  }
0x79: {  	_ =	shalt  }
0x7a: {  	_ =	shalt  }
0x7b: {  	_ =	shalt  }
0x7c: {  	_ =	shalt  }
0x7d: {  	_ =	shalt  }
0x7e: {  	_ =	shalt  }
0x7f: {  	_ =	shalt  }
0x80: {  	_ =	shalt  }
0x81: {  	_ =	shalt  }
0x82: {  	_ =	shalt  }
0x83: {  	_ =	shalt  }
0x84: {  	_ =	shalt  }
0x85: {  	_ =	shalt  }
0x86: {  	_ =	shalt  }
0x87: {  	_ =	shalt  }
.Lfunc_end0:
.L_simem_size_0:
called_computation_lowered:
.L_overlay_start_0:
0x88: {  	s2 =	sld [smem:$0x3FD9]  }
0x89: {  	s3 =	sld [smem:$0x3FFE];
	_ =	sdelay $0x1  }
0x8a: {  	s1 =	srdreg.scid  }
0x8b: {  	s0 =	sand.u32 $0x1, s1  }
0x8c: {  	s17 =	sshll.u32 s0, $0xA;
	s2 =	sadd.s32 s3, s2  }
0x8d: {  	s2 =	sadd.s32 s2, s17  }
0x8e: {  	[smem:$0x3FC3] =	sst s2  }
0x8f: {  	_ = 	snop  }
0x90: {  	s2 =	sld [smem:$0x3FD0];
	(tm) =	ssettm $0x1  }
0x91: {  	s18 =	sld [smem:$0x3FFB];
	_ =	sdelay $0x3  }
0x92: {  	_ =	strace s18  }
0x93: {  	s3 =	sld [smem:$0x3FFC];
	_ =	sdelay $0x3  }
0x94: {  	_ =	strace s3  }
0x95: {  	s3 =	sld [smem:$0x3FFD];
	_ =	sdelay $0x3  }
0x96: {  	_ =	strace s3  }
0x97: {  	_ =	strace $0x8FFFFFFF  }
0x98: {  	s19 =	sld [smem:$0x3FDB];
	_ =	sdelay $0x1  }
0x99: {  	s4 =	simm.s32 $_scs_section_size  }
0x9a: {  	s5 =	simm.s32 $_size__tile_overlayer_lowered;
	s6 =	simm.s32 $_tile_overlayer_lowered  }
0x9b: {  	s22 =	simm.s32 $0x1BFF;
	s21 =	sshll.u32 s6, $0x1;
	s3 =	sadd.s32 s4, s19  }
0x9c: {  	s7 =	simm.s32 $0x0;
	s20 =	sshll.u32 s5, $0x1;
	s5 =	sadd.s32 s21, s3  }
0x9d: {  	[timem:s7], [sflag:s22] =	dma.local [hbm:s5], s20  }
0x9e: {  	_ =	swait.ge [sflag:s22], s20  }
0x9f: {  	s4 =	ssub.s32 $0x0, s20;
	[sflag:s22] =	ssyncset.done $0x0  }
0xa0: {  	[sflag:s22] =	ssyncadd.s32 s4;
	_ =	sdelay $0x1  }
0xa1: {  	s23 =	simm.s32 $0x1B8B  }
0xa2: {  	_ =	swait.ge [sflag:s23], $0x1  }
0xa3: {  	[sflag:s23] =	ssyncset.done $0x0  }
0xa4: {  	s25 =	simm.s32 $0x1B8E;
	s24 =	sld [smem:$0x3FFE];
	[sflag:s23] =	ssyncadd.s32 $0xFFFFFFFF  }
0xa5: {  	s26 =	simm.s32 $execute0_lowered;
	[smem:$0x3FD2] =	sst s25  }
0xa6: {  	s5 =	sshll.u32 s26, $0x1;
	_ =	strace $0x80000046;
	[dreg:$0x1] =	wrdreg $0xFFFFFFFF  }
0xa7: {  	s28 =	simm.s32 $_size_execute0_lowered;
	s3 =	sadd.s32 s3, s5;
	[dreg:$0x0] =	wrdreg $0x0  }
0xa8: {  	s5 =	sshll.u32 s28, $0x1;
	[dreg:$0x2] =	wrdreg s3  }
0xa9: {  	[dreg:$0x3] =	wrdreg s5  }
0xaa: {  	[dreg:$0x4] =	wrdreg $0xC0  }
0xab: {  	_ =	task [dreg:s7], $0x5FFFF  }
0xac: {  	[dreg:$0x1] =	wrdreg $0xFFFFFFFF  }
0xad: {  	[dreg:$0x0] =	wrdreg $0x60  }
0xae: {  	[dreg:$0x2] =	wrdreg s2  }
0xaf: {  	[dreg:$0x3] =	wrdreg s24  }
0xb0: {  	[dreg:$0x4] =	wrdreg $0x9  }
0xb1: {  	_ =	task.clear_ibuf [dreg:s7], $0x5FFFF;
	_ =	strace $0x90000046  }
0xb2: {  	s29 =	simm.s32 $0x9;
	_ =	strace $0x80000048  }
0xb3: {  	_ =	swait.ge [sflag:s29], $0x1  }
0xb4: {  	[sflag:s29] =	ssyncadd.s32 $0xFFFFFFFF  }
0xb5: {  	_ =	strace $0x90000048  }
0xb6: {  	_ =	sfence  }
0xb7: {  	s30 =	sld [smem:$0x0];
	_ =	sdelay $0x2  }
0xb8: {  	s31 =	sshll.u32 s1, $0xD;
	s1 =	sshrl.u32 s1, $0x2  }
0xb9: {  	s3 =	sand.u32 $0x4000, s31;
	s1 =	sadd.s32 s1, s30  }
0xba: {  	s0 =	sor.u32 s3, s0;
	s1 =	sshll.u32 s1, $0x11  }
0xbb: {  	s0 =	sor.u32 s1, s0  }
0xbc: {  	s0 =	sadd.s32 $0x8F2B, s0  }
0xbd: {  	[sflag:s0] =	ssyncadd.remote.s32 $0x1  }
0xbe: {  	_ =	sfence.sel $0xFFFF  }
0xbf: {  	[dreg:$0x0] =	wrdreg $0xFFFFFFFF;
	(pc) =	sbr.abs _section_cstart, $3  }
0xc0: {  	[dreg:$0x1] =	wrdreg $0xFFFFFFFF  }
0xc1: {  	_ =	task.clear_ibuf [dreg:s7], $0x2FFFF;
	_ =	strace $0x9FFFFFFF  }
0xc2: {  	(tm) =	ssettm $0x7FFFFFFF  }
0xc3: {  	_ =	shalt  }
tec
execute0_lowered:
.L_overlay_start_1:
0x0: {  	(tag) =	ssettag $0x1  }
0x1: {  	s2 =	rddreg [dreg:$0x0]  }
0x2: {  	s4 =	rddreg [dreg:$0x1]  }
0x3: {  	s0 =	rddreg [dreg:$0x2]  }
0x4: {  	s1 =	stileid.u32;
	s6 =	srdreg.scid  }
0x5: {  	s3 =	simm.s32 $0x0;
	s10 =	simm.s32 $0x1590;
	s11 =	simm.s32 $0xA0  }
0x6: {  	s12 =	simm.s32 $0x2990;
	s13 =	simm.s32 $0xF0;
	s14 =	simm.s32 $0x3D90  }
0x7: {  	s15 =	simm.s32 $0x140;
	s16 =	simm.s32 $0x5190;
	s5 =	smul.u32 $0x9C4, s1  }
0x8: {  	s17 =	simm.s32 $0x1;
	s7 =	smul.u32 $0x27100, s1;
	s6 =	sand.u32 $0x1, s6  }
0x9: {  	s18 =	simm.s32 $0x0;
	[smem:$0x7FF] =	sst s3;
	s8 =	smul.u32 $0x13880, s6  }
0xa: {  	_ =	strace $0x80000047;
	s9 =	ssub.s32 $0x2, s6;
	s6 =	smul.u32 $0x4E2, s6  }
0xb: {  	s5 =	sadd.s32 s5, s4;
	s4 =	sadd.s32 s7, s4;
	s31 =	sshrl.u32 s9, $0x1  }
0xc: {  	s7 =	ssub.s32 s9, s31;
	s8 =	sadd.s32 s8, s4;
	s6 =	sadd.s32 s6, s5  }
0xd: {  	s9 =	simm.s32 $0x190;
	s4 =	smax.u32 s7, $0x1;
	s5 =	sadd.s32 $0xE200, s8  }
0xe: {  	s6 =	sadd.s32 $0x4400, s6;
	s7 =	simm.s32 $0x2;
	s8 =	simm.s32 $0x50  }
.LBB2_1:
0xf: {  	s19 =	sadd.s32 $0x0, s6  }
0x10: {  	[tilespmem:s3], [sflag:$0x2] =	stream.linear.gather [hbm4b:s19+s3], $0x190, $0x38;
	[tilespmem:$0x6590] =	vst v63  }
0x11: {  	_ =	swait.ge [sflag:s7], $0x190  }
0x12: {  	[sflag:s7] =	ssyncset.done $0x0  }
0x13: {  	[sflag:s7] =	ssyncadd.s32 $0xFFFFFE70  }
0x14: {  	[tilespmem:s9], [sflag:$0x1] =	stream.indirect.gather [hbm4b:s2+s8], $0x40, s3, s8, $0xb8;
	[tilespmem:$0x6590] =	vst v63  }
0x15: {  	_ = 	snop  }
0x16: {  	[tilespmem:s10], [sflag:$0x1] =	stream.indirect.gather [hbm4b:s2+s8], $0x40, s8, s8, $0xb8;
	[tilespmem:$0x6590] =	vst v63  }
0x17: {  	_ = 	snop  }
0x18: {  	[tilespmem:s12], [sflag:$0x1] =	stream.indirect.gather [hbm4b:s2+s8], $0x40, s11, s8, $0xb8;
	[tilespmem:$0x6590] =	vst v63  }
0x19: {  	_ = 	snop  }
0x1a: {  	[tilespmem:s14], [sflag:$0x1] =	stream.indirect.gather [hbm4b:s2+s8], $0x40, s13, s8, $0xb8;
	[tilespmem:$0x6590] =	vst v63  }
0x1b: {  	_ = 	snop  }
0x1c: {  	[tilespmem:s16], [sflag:$0x1] =	stream.indirect.gather [hbm4b:s2+s8], $0x40, s15, s8, $0xb8;
	[tilespmem:$0x6590] =	vst v63  }
0x1d: {  	_ =	swait.ge [sflag:s17], $0x1400  }
0x1e: {  	[sflag:s17] =	ssyncset.done $0x0  }
0x1f: {  	[sflag:s17] =	ssyncadd.s32 $0xFFFFEC00  }
0x20: {  	_ =	swait.ge [sflag:s17], $0x1400  }
0x21: {  	[sflag:s17] =	ssyncset.done $0x0  }
0x22: {  	[sflag:s17] =	ssyncadd.s32 $0xFFFFEC00  }
0x23: {  	_ =	swait.ge [sflag:s17], $0x1400  }
0x24: {  	[sflag:s17] =	ssyncset.done $0x0  }
0x25: {  	[sflag:s17] =	ssyncadd.s32 $0xFFFFEC00  }
0x26: {  	_ =	swait.ge [sflag:s17], $0x1400  }
0x27: {  	[sflag:s17] =	ssyncset.done $0x0  }
0x28: {  	[sflag:s17] =	ssyncadd.s32 $0xFFFFEC00  }
0x29: {  	_ =	swait.ge [sflag:s17], $0x1400  }
0x2a: {  	[sflag:s17] =	ssyncset.done $0x0  }
0x2b: {  	[sflag:s17] =	ssyncadd.s32 $0xFFFFEC00  }
0x2c: {  	[hbm4b:s5+s3] =	stream.linear.scatter [tilespmem:s9], [sflag:$0x2], $0x6400, $0x38;
	[tilespmem:$0x6590] =	vst v63  }
0x2d: {  	s20 =	simm.s32 $0x32;
	_ =	swait.ge [sflag:s7], $0x6400  }
0x2e: {  	s21 =	simm.s32 $0x64;
	s19 =	sadd.s32 $0xC80, s5;
	[sflag:s7] =	ssyncset.done $0x0  }
.LBB2_2:
0x2f: {  	s22 =	sadd.s32 s20, s6  }
0x30: {  	[sflag:s7] =	ssyncadd.s32 $0xFFFF9C00;
	s20 =	smov.u32 s21;
	s23 =	sadd.s32 $0x32, s21  }
0x31: {  	[tilespmem:s3], [sflag:$0x2] =	stream.linear.gather [hbm4b:s22+s3], $0x190, $0x38;
	[tilespmem:$0x6590] =	vst v63  }
0x32: {  	p0 =	sne.s32 s21, $0x4B0;
	_ =	swait.ge [sflag:s7], $0x190  }
0x33: {  	[sflag:s7] =	ssyncset.done $0x0  }
0x34: {  	[sflag:s7] =	ssyncadd.s32 $0xFFFFFE70  }
0x35: {  	[tilespmem:s9], [sflag:$0x1] =	stream.indirect.gather [hbm4b:s2+s8], $0x40, s3, s8, $0xb8;
	[tilespmem:$0x6590] =	vst v63  }
0x36: {  	_ = 	snop  }
0x37: {  	[tilespmem:s10], [sflag:$0x1] =	stream.indirect.gather [hbm4b:s2+s8], $0x40, s8, s8, $0xb8;
	[tilespmem:$0x6590] =	vst v63  }
0x38: {  	_ = 	snop  }
0x39: {  	[tilespmem:s12], [sflag:$0x1] =	stream.indirect.gather [hbm4b:s2+s8], $0x40, s11, s8, $0xb8;
	[tilespmem:$0x6590] =	vst v63  }
0x3a: {  	_ = 	snop  }
0x3b: {  	[tilespmem:s14], [sflag:$0x1] =	stream.indirect.gather [hbm4b:s2+s8], $0x40, s13, s8, $0xb8;
	[tilespmem:$0x6590] =	vst v63  }
0x3c: {  	_ = 	snop  }
0x3d: {  	[tilespmem:s16], [sflag:$0x1] =	stream.indirect.gather [hbm4b:s2+s8], $0x40, s15, s8, $0xb8;
	[tilespmem:$0x6590] =	vst v63  }
0x3e: {  	_ =	swait.ge [sflag:s17], $0x1400  }
0x3f: {  	[sflag:s17] =	ssyncset.done $0x0  }
0x40: {  	[sflag:s17] =	ssyncadd.s32 $0xFFFFEC00  }
0x41: {  	_ =	swait.ge [sflag:s17], $0x1400  }
0x42: {  	[sflag:s17] =	ssyncset.done $0x0  }
0x43: {  	[sflag:s17] =	ssyncadd.s32 $0xFFFFEC00  }
0x44: {  	_ =	swait.ge [sflag:s17], $0x1400  }
0x45: {  	[sflag:s17] =	ssyncset.done $0x0  }
0x46: {  	[sflag:s17] =	ssyncadd.s32 $0xFFFFEC00  }
0x47: {  	_ =	swait.ge [sflag:s17], $0x1400  }
0x48: {  	[sflag:s17] =	ssyncset.done $0x0  }
0x49: {  	[sflag:s17] =	ssyncadd.s32 $0xFFFFEC00  }
0x4a: {  	_ =	swait.ge [sflag:s17], $0x1400  }
.Ltmp0:
0x4b: {  	[sflag:s17] =	ssyncset.done $0x0;
	(pc) =	sbr.rel @p0 .LBB2_2-.Ltmp0, $4  }
0x4c: {  	[sflag:s17] =	ssyncadd.s32 $0xFFFFEC00  }
0x4d: {  	[hbm4b:s19+s3] =	stream.linear.scatter [tilespmem:s9], [sflag:$0x2], $0x6400, $0x38;
	[tilespmem:$0x6590] =	vst v63  }
0x4e: {  	_ =	swait.ge [sflag:s7], $0x6400  }
0x4f: {  	s21 =	smov.u32 s23;
	s19 =	sadd.s32 $0xC80, s19;
	[sflag:s7] =	ssyncset.done $0x0  }
0x50: {  	s20 =	sadd.s32 s20, s6;
	[sflag:s7] =	ssyncadd.s32 $0xFFFF9C00  }
0x51: {  	[tilespmem:s3], [sflag:$0x2] =	stream.linear.gather [hbm4b:s20+s3], $0x190, $0x38;
	[tilespmem:$0x6590] =	vst v63  }
0x52: {  	_ =	swait.ge [sflag:s7], $0x190  }
0x53: {  	[sflag:s7] =	ssyncset.done $0x0  }
0x54: {  	[sflag:s7] =	ssyncadd.s32 $0xFFFFFE70  }
0x55: {  	[tilespmem:s9], [sflag:$0x1] =	stream.indirect.gather [hbm4b:s2+s8], $0x40, s3, s8, $0xb8;
	[tilespmem:$0x6590] =	vst v63  }
0x56: {  	_ = 	snop  }
0x57: {  	[tilespmem:s10], [sflag:$0x1] =	stream.indirect.gather [hbm4b:s2+s8], $0x40, s8, s8, $0xb8;
	[tilespmem:$0x6590] =	vst v63  }
0x58: {  	_ = 	snop  }
0x59: {  	[tilespmem:s12], [sflag:$0x1] =	stream.indirect.gather [hbm4b:s2+s8], $0x40, s11, s8, $0xb8;
	[tilespmem:$0x6590] =	vst v63  }
0x5a: {  	_ = 	snop  }
0x5b: {  	[tilespmem:s14], [sflag:$0x1] =	stream.indirect.gather [hbm4b:s2+s8], $0x40, s13, s8, $0xb8;
	[tilespmem:$0x6590] =	vst v63  }
0x5c: {  	_ = 	snop  }
0x5d: {  	[tilespmem:s16], [sflag:$0x1] =	stream.indirect.gather [hbm4b:s2+s8], $0x40, s15, s8, $0xb8;
	[tilespmem:$0x6590] =	vst v63  }
0x5e: {  	_ =	swait.ge [sflag:s17], $0x1400  }
0x5f: {  	[sflag:s17] =	ssyncset.done $0x0  }
0x60: {  	[sflag:s17] =	ssyncadd.s32 $0xFFFFEC00  }
0x61: {  	_ =	swait.ge [sflag:s17], $0x1400  }
0x62: {  	[sflag:s17] =	ssyncset.done $0x0  }
0x63: {  	[sflag:s17] =	ssyncadd.s32 $0xFFFFEC00  }
0x64: {  	_ =	swait.ge [sflag:s17], $0x1400  }
0x65: {  	[sflag:s17] =	ssyncset.done $0x0  }
0x66: {  	[sflag:s17] =	ssyncadd.s32 $0xFFFFEC00  }
0x67: {  	_ =	swait.ge [sflag:s17], $0x1400  }
0x68: {  	[sflag:s17] =	ssyncset.done $0x0  }
0x69: {  	[sflag:s17] =	ssyncadd.s32 $0xFFFFEC00  }
0x6a: {  	s18 =	sadd.s32 $0x1, s18;
	_ =	swait.ge [sflag:s17], $0x1400  }
0x6b: {  	p0 =	sne.s32 s18, s4;
	[sflag:s17] =	ssyncset.done $0x0  }
.Ltmp1:
0x6c: {  	[sflag:s17] =	ssyncadd.s32 $0xFFFFEC00;
	(pc) =	sbr.rel @p0 .LBB2_1-.Ltmp1, $4  }
0x6d: {  	[hbm4b:s19+s3] =	stream.linear.scatter [tilespmem:s9], [sflag:$0x2], $0x6400, $0x38;
	[tilespmem:$0x6590] =	vst v63  }
0x6e: {  	_ =	swait.ge [sflag:s7], $0x6400  }
0x6f: {  	[sflag:s7] =	ssyncset.done $0x0  }
0x70: {  	[sflag:s7] =	ssyncadd.s32 $0xFFFF9C00  }
0x71: {  	_ =	sfence.sel $0x180000  }
0x72: {  	[bflag:$0x0] =	sbarrier.arrive $0xFFFF  }
0x73: {  	p0 =	sne.s32 s1, $0x0;
	_ =	strace $0x90000047  }
0x74: {  	s0 =	sadd.s32 @!p0 $0x100000, s0;
	[bflag:$0x2] =	sbarrier.arrive $0xFFFF  }
0x75: {  	[sflag:s0] =	ssyncadd.tile.s32 @!p0 $0x1;
	_ =	shalt  }
.Lfunc_end2:
_tile_overlayer_lowered:
.L_overlay_start_2:
0x76: {  	(tag) =	ssettag $0x2  }
0x77: {  	s0 =	rddreg [dreg:$0x0];
	s2 =	stileid.u32  }
0x78: {  	s1 =	rddreg [dreg:$0x1];
	p0 =	sne.s32 s2, $0x0  }
0x79: {  	s3 =	rddreg [dreg:$0x2];
	[bflag:$0x3] =	sbarrier.arrive $0xFFFF;
	s2 =	simm.s32 @!p0 $0x1C02  }
0x7a: {  	[timem:s3], [sflag:s2] =	dma.local @!p0 [hbm:s0], s1  }
0x7b: {  	s0 =	simm.s32 @!p0 $0x2  }
0x7c: {  	_ =	swait.ge @!p0 [sflag:s0], s1  }
0x7d: {  	s1 =	ssub.s32 @!p0 $0x0, s1;
	[sflag:s0] =	ssyncset.done @!p0 $0x0  }
0x7e: {  	[sflag:s0] =	ssyncadd.s32 @!p0 s1  }
0x7f: {  	[bflag:$0x3] =	sbarrier.arrive $0xFFFF  }
0x80: {  	_ =	shalt  }

</sc_bundles>
